<compile_context>
chip_gen: v7x
topology: tpu7x:2x2x1
jax: 0.10.2.dev20260603
libtpu: 0.0.44.dev20260713+nightly
codegen_flags: <defaults>
</compile_context>

<pallas_src>
import functools

import jax
import jax.numpy as jnp
from jax import lax
from jax.experimental import pallas as pl
from jax.experimental.pallas import tpu as pltpu
from jax.experimental.pallas import tpu_sc as plsc

N = 10000
NPAD = 10240
E = 320000
IN_CH = 128
HIDDEN = 64
LOC_OUT = 16
OUT_CH = 128

NCORE = 2
NSUB = 16
NW = NCORE * NSUB
EPC = 128
CPW = 80
EPAD = NW * CPW * EPC
NBUF = 4
NGRP = CPW // NBUF
RPT = NPAD // NSUB
DEGW = 16

_MESH = dict(core_axis_name="c", subcore_axis_name="s")
_SC_PARAMS = pltpu.CompilerParams(use_tc_tiling_on_sc=False)


def _wid():
    return lax.axis_index("s") * NCORE + lax.axis_index("c")


@functools.partial(
    pl.kernel,
    out_type=jax.ShapeDtypeStruct((NCORE, NPAD, DEGW), jnp.float32),
    mesh=plsc.VectorSubcoreMesh(**_MESH),
    compiler_params=_SC_PARAMS,
    scratch_types=[
        pltpu.VMEM_SHARED((NPAD, DEGW), jnp.float32),
        pltpu.VMEM((CPW, EPC), jnp.int32),
        pltpu.VMEM((EPC, DEGW), jnp.float32),
        pltpu.SemaphoreType.DMA,
        pltpu.SemaphoreType.DMA,
        pltpu.SemaphoreType.DMA,
        pltpu.SemaphoreType.DMA,
    ],
)
def _sc_deg(dst3, ones_hbm, zeros_hbm, out, dacc, dstidx, ones_v, *sems):
    c = lax.axis_index("c")
    s = lax.axis_index("s")
    w = _wid()
    pltpu.sync_copy(zeros_hbm.at[pl.ds(s * RPT, RPT)],
                    dacc.at[pl.ds(s * RPT, RPT)])
    pltpu.sync_copy(ones_hbm, ones_v)
    pltpu.sync_copy(dst3.at[w], dstidx)
    plsc.subcore_barrier()

    def grp(g, carry):
        for b in range(NBUF):
            j = g * NBUF + b

            @pl.when(g > 0)
            def _():
                pltpu.make_async_copy(ones_v, dacc.at[dstidx.at[j]],
                                      sems[b]).wait()

            pltpu.async_copy(ones_v, dacc.at[dstidx.at[j]], sems[b], add=True)
        return carry

    lax.fori_loop(0, NGRP, grp, 0)
    for b in range(NBUF):
        pltpu.make_async_copy(ones_v, dacc.at[dstidx.at[b]], sems[b]).wait()
    plsc.subcore_barrier()
    pltpu.sync_copy(dacc.at[pl.ds(s * RPT, RPT)],
                    out.at[c, pl.ds(s * RPT, RPT)])


def _make_sc_agg(width):
    @functools.partial(
        pl.kernel,
        out_type=jax.ShapeDtypeStruct((NCORE, NPAD, width), jnp.float32),
        mesh=plsc.VectorSubcoreMesh(**_MESH),
        compiler_params=_SC_PARAMS,
        scratch_types=[
            pltpu.VMEM_SHARED((NPAD, width), jnp.float32),
            pltpu.VMEM((CPW, EPC), jnp.int32),
            pltpu.VMEM((CPW, EPC), jnp.int32),
        ] + [pltpu.VMEM((EPC, width), jnp.float32) for _ in range(NBUF)]
          + [pltpu.SemaphoreType.DMA for _ in range(NBUF)],
    )
    def sc_agg(h_hbm, src3, dst3, zeros_hbm, out, acc, srcidx, dstidx, *rest):
        rows = rest[:NBUF]
        sems = rest[NBUF:]
        c = lax.axis_index("c")
        s = lax.axis_index("s")
        w = _wid()
        pltpu.sync_copy(zeros_hbm.at[pl.ds(s * RPT, RPT)],
                        acc.at[pl.ds(s * RPT, RPT)])
        pltpu.sync_copy(src3.at[w], srcidx)
        pltpu.sync_copy(dst3.at[w], dstidx)
        plsc.subcore_barrier()
        for b in range(NBUF):
            pltpu.async_copy(h_hbm.at[srcidx.at[b]], rows[b], sems[b])

        def grp(g, carry):
            for b in range(NBUF):
                j = g * NBUF + b
                pltpu.make_async_copy(h_hbm.at[srcidx.at[j]], rows[b],
                                      sems[b]).wait()
                pltpu.sync_copy(rows[b], acc.at[dstidx.at[j]], add=True)

                @pl.when(g < NGRP - 1)
                def _():
                    pltpu.async_copy(h_hbm.at[srcidx.at[j + NBUF]], rows[b],
                                     sems[b])
            return carry

        lax.fori_loop(0, NGRP, grp, 0)
        plsc.subcore_barrier()
        pltpu.sync_copy(acc.at[pl.ds(s * RPT, RPT)],
                        out.at[c, pl.ds(s * RPT, RPT)])

    return sc_agg


_sc_agg64 = _make_sc_agg(HIDDEN)
_sc_agg16 = _make_sc_agg(LOC_OUT)


BLK = 1024
GRID = NPAD // BLK


def _dis(deg_ref):
    d = deg_ref[...]
    deg = d[0][:, :1] + d[1][:, :1] + 1.0
    return lax.rsqrt(deg)


def _tc1_body(x_ref, w_ref, deg_ref, h_ref):
    dis = _dis(deg_ref)
    h = jnp.dot(x_ref[...], w_ref[...], preferred_element_type=jnp.float32)
    h_ref[...] = h * dis


def _tc1(x_p, W0, deg_parts):
    return pl.pallas_call(
        _tc1_body,
        grid=(GRID,),
        in_specs=[
            pl.BlockSpec((BLK, IN_CH), lambda i: (i, 0)),
            pl.BlockSpec((IN_CH, HIDDEN), lambda i: (0, 0)),
            pl.BlockSpec((NCORE, BLK, DEGW), lambda i: (0, i, 0)),
        ],
        out_specs=pl.BlockSpec((BLK, HIDDEN), lambda i: (i, 0)),
        out_shape=jax.ShapeDtypeStruct((NPAD, HIDDEN), jnp.float32),
    )(x_p, W0, deg_parts)


def _tc2_body(agg_ref, h_ref, deg_ref, b0_ref, w1_ref, o_ref):
    dis = _dis(deg_ref)
    a = agg_ref[0] + agg_ref[1] + h_ref[...]
    x1 = jax.nn.relu(a * dis + b0_ref[...])
    h1 = jnp.dot(x1, w1_ref[...], preferred_element_type=jnp.float32)
    o_ref[...] = h1 * dis


def _tc2(agg0, h0s, deg_parts, b0, W1):
    return pl.pallas_call(
        _tc2_body,
        grid=(GRID,),
        in_specs=[
            pl.BlockSpec((NCORE, BLK, HIDDEN), lambda i: (0, i, 0)),
            pl.BlockSpec((BLK, HIDDEN), lambda i: (i, 0)),
            pl.BlockSpec((NCORE, BLK, DEGW), lambda i: (0, i, 0)),
            pl.BlockSpec((1, HIDDEN), lambda i: (0, 0)),
            pl.BlockSpec((HIDDEN, LOC_OUT), lambda i: (0, 0)),
        ],
        out_specs=pl.BlockSpec((BLK, LOC_OUT), lambda i: (i, 0)),
        out_shape=jax.ShapeDtypeStruct((NPAD, LOC_OUT), jnp.float32),
    )(agg0, h0s, deg_parts, b0.reshape(1, HIDDEN), W1)


def _tc3_body(agg_ref, h_ref, deg_ref, b1_ref, g_ref, aw1_ref, ab1_ref,
              aw2_ref, lw_ref, lb_ref, o_ref):
    dis = _dis(deg_ref)
    x2 = (agg_ref[0] + agg_ref[1] + h_ref[...]) * dis + b1_ref[...]
    g = g_ref[...]
    aw1 = aw1_ref[...]
    ab1 = ab1_ref[...]
    aw2 = aw2_ref[...]
    t1 = jnp.tanh(jnp.dot(x2, aw1, preferred_element_type=jnp.float32) + ab1)
    t2 = jnp.tanh(jnp.dot(g, aw1, preferred_element_type=jnp.float32) + ab1)
    w1 = jnp.dot(t1, aw2, preferred_element_type=jnp.float32)
    w2 = jnp.dot(t2, aw2, preferred_element_type=jnp.float32)
    m = jnp.maximum(w1, w2)
    e1 = jnp.exp(w1 - m)
    e2 = jnp.exp(w2 - m)
    tot = e1 + e2
    emb = (e1 / tot) * x2 + (e2 / tot) * g
    o_ref[...] = (jnp.dot(emb, lw_ref[...], preferred_element_type=jnp.float32)
                  + lb_ref[...])


def _tc3(agg1, h1s, deg_parts, b1, glob_p, attW1, attb1, attW2, linW, linb):
    return pl.pallas_call(
        _tc3_body,
        grid=(GRID,),
        in_specs=[
            pl.BlockSpec((NCORE, BLK, LOC_OUT), lambda i: (0, i, 0)),
            pl.BlockSpec((BLK, LOC_OUT), lambda i: (i, 0)),
            pl.BlockSpec((NCORE, BLK, DEGW), lambda i: (0, i, 0)),
            pl.BlockSpec((1, LOC_OUT), lambda i: (0, 0)),
            pl.BlockSpec((BLK, LOC_OUT), lambda i: (i, 0)),
            pl.BlockSpec((LOC_OUT, 16), lambda i: (0, 0)),
            pl.BlockSpec((1, 16), lambda i: (0, 0)),
            pl.BlockSpec((16, 1), lambda i: (0, 0)),
            pl.BlockSpec((LOC_OUT, OUT_CH), lambda i: (0, 0)),
            pl.BlockSpec((1, OUT_CH), lambda i: (0, 0)),
        ],
        out_specs=pl.BlockSpec((BLK, OUT_CH), lambda i: (i, 0)),
        out_shape=jax.ShapeDtypeStruct((NPAD, OUT_CH), jnp.float32),
    )(agg1, h1s, deg_parts, b1.reshape(1, LOC_OUT), glob_p, attW1,
      attb1.reshape(1, 16), attW2, linW, linb.reshape(1, OUT_CH))


def kernel(batch_x, edge_index, glob_emb, W0, b0, W1, b1, attW1, attb1,
           attW2, linW, linb):
    src = edge_index[0]
    dst = edge_index[1]
    pad_e = EPAD - E
    src_p = jnp.concatenate([src, jnp.zeros((pad_e,), jnp.int32)])
    dst_p = jnp.concatenate([dst, jnp.full((pad_e,), N, jnp.int32)])
    src3 = src_p.reshape(NW, CPW, EPC)
    dst3 = dst_p.reshape(NW, CPW, EPC)

    x_p = jnp.pad(batch_x, ((0, NPAD - N), (0, 0)))
    glob_p = jnp.pad(glob_emb, ((0, NPAD - N), (0, 0)))
    zeros64 = jnp.zeros((NPAD, HIDDEN), jnp.float32)
    zeros16 = jnp.zeros((NPAD, LOC_OUT), jnp.float32)
    ones_hbm = jnp.ones((EPC, DEGW), jnp.float32)

    deg_parts = _sc_deg(dst3, ones_hbm, zeros16)
    h0s = _tc1(x_p, W0, deg_parts)
    agg0 = _sc_agg64(h0s, src3, dst3, zeros64)
    h1s = _tc2(agg0, h0s, deg_parts, b0, W1)
    agg1 = _sc_agg16(h1s, src3, dst3, zeros16)
    res_p = _tc3(agg1, h1s, deg_parts, b1, glob_p, attW1, attb1, attW2,
                 linW, linb)
    return res_p[:N]

# --- scband reference (transcript-rebuilt; emitter-appended) ---
"""Pipeline reference for scband-fed-gsl-gcn-69320772157913 (READ-ONLY COPY).

The authoritative reference and input builder live on the scoring server;
editing this copy changes nothing except your own understanding.
"""

import jax, jax.numpy as jnp
import numpy as np

N_NODES = 10000
N_EDGES = 320000
IN_CH = 128
HIDDEN = 64
LOC_OUT = 16
OUT_CH = 128


def gcn_conv(x, src, dst, W, b):
    n = x.shape[0]
    loops = jnp.arange(n, dtype=src.dtype)
    s = jnp.concatenate([src, loops])
    d = jnp.concatenate([dst, loops])
    h = x @ W
    deg = jnp.zeros((n,), x.dtype).at[d].add(1.0)
    dis = jnp.where(deg > 0, 1.0 / jnp.sqrt(deg), 0.0)
    norm = dis[s] * dis[d]
    msgs = h[s] * norm[:, None]
    out = jax.ops.segment_sum(msgs, d, num_segments=n)
    return out + b


def setup_inputs(seed: int = 0):
    key = jax.random.key(seed)
    ks = jax.random.split(key, 12)
    batch_x = jax.random.normal(ks[0], (N_NODES, IN_CH), dtype=jnp.float32)
    edge_index = jax.random.randint(ks[1], (2, N_EDGES), 0, N_NODES, dtype=jnp.int32)
    glob_emb = jax.random.normal(ks[2], (N_NODES, LOC_OUT), dtype=jnp.float32)
    W0 = jax.random.normal(ks[3], (IN_CH, HIDDEN), dtype=jnp.float32) * 0.05
    b0 = jnp.zeros((HIDDEN,), jnp.float32)
    W1 = jax.random.normal(ks[4], (HIDDEN, LOC_OUT), dtype=jnp.float32) * 0.05
    b1 = jnp.zeros((LOC_OUT,), jnp.float32)
    attW1 = jax.random.normal(ks[5], (LOC_OUT, 16), dtype=jnp.float32) * 0.05
    attb1 = jnp.zeros((16,), jnp.float32)
    attW2 = jax.random.normal(ks[6], (16, 1), dtype=jnp.float32) * 0.05
    linW = jax.random.normal(ks[7], (LOC_OUT, OUT_CH), dtype=jnp.float32) * 0.05
    linb = jnp.zeros((OUT_CH,), jnp.float32)
    return {"batch_x": batch_x, "edge_index": edge_index, "glob_emb": glob_emb,
            "W0": W0, "b0": b0, "W1": W1, "b1": b1,
            "attW1": attW1, "attb1": attb1, "attW2": attW2,
            "linW": linW, "linb": linb}


def reference(batch_x, edge_index, glob_emb, W0, b0, W1, b1, attW1, attb1, attW2, linW, linb):
    src, dst = edge_index[0], edge_index[1]
    # layer 0: GCNConv(in_channels -> hidden), then relu (dropout p=0 is identity)
    x = gcn_conv(batch_x, src, dst, W0, b0)
    x = jax.nn.relu(x)
    # layer 1 (last): GCNConv(hidden -> loc_gnn_outsize), no activation
    x = gcn_conv(x, src, dst, W1, b1)
    # Attention over stacked local / global embeddings
    z = jnp.stack([x, glob_emb], axis=1)            # [N, 2, 16]
    w = jnp.tanh(z @ attW1 + attb1) @ attW2         # [N, 2, 1]
    beta = jax.nn.softmax(w, axis=1)
    emb = jnp.sum(beta * z, axis=1)                 # [N, 16]
    res = emb @ linW + linb                         # [N, out_channels]
    return res

if __name__ == "__main__":
    import jax
    _d = setup_inputs()
    print(jax.jit(kernel)(*tuple(_d.values())))

</pallas_src>

<mosaic_0001>
#map = affine_map<(d0, d1) -> (0, 0, 0)>
#map1 = affine_map<(d0, d1) -> (0, 0)>
module attributes {stable_mosaic.version = 14 : i64} {
  func.func @_sc_deg(%arg0: i32, %arg1: i32, %arg2: memref<32x80x128xi32, #tpu.memory_space<hbm>>, %arg3: memref<128x16xf32, #tpu.memory_space<hbm>>, %arg4: memref<10240x16xf32, #tpu.memory_space<hbm>>, %arg5: memref<2x10240x16xf32, #tpu.memory_space<hbm>>, %arg6: memref<10240x16xf32, #tpu.memory_space<vmem_shared>>, %arg7: memref<80x128xi32, #tpu.memory_space<vmem>>, %arg8: memref<128x16xf32, #tpu.memory_space<vmem>>, %arg9: memref<!tpu.dma_semaphore, #tpu.memory_space<semaphore_mem>>, %arg10: memref<!tpu.dma_semaphore, #tpu.memory_space<semaphore_mem>>, %arg11: memref<!tpu.dma_semaphore, #tpu.memory_space<semaphore_mem>>, %arg12: memref<!tpu.dma_semaphore, #tpu.memory_space<semaphore_mem>>) attributes {dimension_semantics = [#tpu.dimension_semantics<core_parallel>, #tpu.dimension_semantics<subcore_parallel>], iteration_bounds = array<i64: 2, 16>, scalar_prefetch = 0 : i64, scratch_operands = 7 : i64, tpu.core_type = #tpu.core_type<sc_vector_subcore>, window_params = [{transform_indices = #map}, {transform_indices = #map1}, {transform_indices = #map1}, {transform_indices = #map}]} {
    %mul3A = arith.constant 2 : i32
    %mul3A_0 = arith.muli %arg1, %mul3A : i32
    %add3A = arith.addi %mul3A_0, %arg0 : i32
    %mul3A_1 = arith.constant 640 : i32
    %mul3A_2 = arith.muli %arg1, %mul3A_1 : i32
    %mul3A_3 = arith.constant 640 : i32
    %mul3A_4 = arith.muli %arg1, %mul3A_3 : i32
    "tpu.region"() ({
      %run_scoped3A = tpu.sem_alloc : memref<!tpu.dma_semaphore, #tpu.memory_space<semaphore_mem>>
      %dma_start3A = arith.constant 0 : i32
      %dma_start3A_42 = tpu.memref_slice %arg6[%mul3A_4, %dma_start3A] : memref<10240x16xf32, #tpu.memory_space<vmem_shared>> -> memref<640x16xf32, #tpu.memory_space<vmem_shared>>
      %dma_start3A_43 = arith.constant 0 : i32
      %dma_start3A_44 = tpu.memref_slice %arg4[%mul3A_2, %dma_start3A_43] : memref<10240x16xf32, #tpu.memory_space<hbm>> -> memref<640x16xf32, #tpu.memory_space<hbm>>
      tpu.enqueue_dma source(%dma_start3A_44 : memref<640x16xf32, #tpu.memory_space<hbm>>) target(%dma_start3A_42 : memref<640x16xf32, #tpu.memory_space<vmem_shared>>) target_semaphore(%run_scoped3A : memref<!tpu.dma_semaphore, #tpu.memory_space<semaphore_mem>>)
      %dma_wait3A_45 = arith.constant 0 : i32
      %dma_wait3A_46 = tpu.memref_slice %arg6[%mul3A_4, %dma_wait3A_45] : memref<10240x16xf32, #tpu.memory_space<vmem_shared>> -> memref<640x16xf32, #tpu.memory_space<vmem_shared>>
      %dma_wait3A_47 = arith.constant 0 : i32
      %dma_wait3A_48 = tpu.memref_slice %arg4[%mul3A_2, %dma_wait3A_47] : memref<10240x16xf32, #tpu.memory_space<hbm>> -> memref<640x16xf32, #tpu.memory_space<hbm>>
      tpu.wait_dma2 semaphore(%run_scoped3A : memref<!tpu.dma_semaphore, #tpu.memory_space<semaphore_mem>>) src(%dma_wait3A_48 : memref<640x16xf32, #tpu.memory_space<hbm>>) dst(%dma_wait3A_46 : memref<640x16xf32, #tpu.memory_space<vmem_shared>>)
      tpu.yield
    }) : () -> ()
    "tpu.region"() ({
      %run_scoped3A = tpu.sem_alloc : memref<!tpu.dma_semaphore, #tpu.memory_space<semaphore_mem>>
      tpu.enqueue_dma source(%arg3 : memref<128x16xf32, #tpu.memory_space<hbm>>) target(%arg8 : memref<128x16xf32, #tpu.memory_space<vmem>>) target_semaphore(%run_scoped3A : memref<!tpu.dma_semaphore, #tpu.memory_space<semaphore_mem>>)
      tpu.wait_dma2 semaphore(%run_scoped3A : memref<!tpu.dma_semaphore, #tpu.memory_space<semaphore_mem>>) src(%arg3 : memref<128x16xf32, #tpu.memory_space<hbm>>) dst(%arg8 : memref<128x16xf32, #tpu.memory_space<vmem>>)
      tpu.yield
    }) : () -> ()
    "tpu.region"() ({
      %run_scoped3A = tpu.sem_alloc : memref<!tpu.dma_semaphore, #tpu.memory_space<semaphore_mem>>
      %dma_start3A = arith.constant 0 : i32
      %dma_start3A_42 = arith.constant 0 : i32
      %dma_start3A_43 = tpu.memref_slice %arg2[%add3A, %dma_start3A, %dma_start3A_42] : memref<32x80x128xi32, #tpu.memory_space<hbm>> -> memref<1x80x128xi32, #tpu.memory_space<hbm>>
      %dma_start3A_44 = tpu.memref_squeeze %dma_start3A_43 : memref<1x80x128xi32, #tpu.memory_space<hbm>> -> memref<80x128xi32, #tpu.memory_space<hbm>>
      %dma_start3A_45 = arith.constant 0 : i32
      %dma_start3A_46 = arith.constant 0 : i32
      %dma_start3A_47 = tpu.memref_slice %arg2[%add3A, %dma_start3A_45, %dma_start3A_46] : memref<32x80x128xi32, #tpu.memory_space<hbm>> -> memref<1x80x128xi32, #tpu.memory_space<hbm>>
      %dma_start3A_48 = tpu.memref_squeeze %dma_start3A_47 : memref<1x80x128xi32, #tpu.memory_space<hbm>> -> memref<80x128xi32, #tpu.memory_space<hbm>>
      tpu.enqueue_dma source(%dma_start3A_48 : memref<80x128xi32, #tpu.memory_space<hbm>>) target(%arg7 : memref<80x128xi32, #tpu.memory_space<vmem>>) target_semaphore(%run_scoped3A : memref<!tpu.dma_semaphore, #tpu.memory_space<semaphore_mem>>)
      %dma_wait3A_49 = arith.constant 0 : i32
      %dma_wait3A_50 = arith.constant 0 : i32
      %dma_wait3A_51 = tpu.memref_slice %arg2[%add3A, %dma_wait3A_49, %dma_wait3A_50] : memref<32x80x128xi32, #tpu.memory_space<hbm>> -> memref<1x80x128xi32, #tpu.memory_space<hbm>>
      %dma_wait3A_52 = tpu.memref_squeeze %dma_wait3A_51 : memref<1x80x128xi32, #tpu.memory_space<hbm>> -> memref<80x128xi32, #tpu.memory_space<hbm>>
      %dma_wait3A_53 = arith.constant 0 : i32
      %dma_wait3A_54 = arith.constant 0 : i32
      %dma_wait3A_55 = tpu.memref_slice %arg2[%add3A, %dma_wait3A_53, %dma_wait3A_54] : memref<32x80x128xi32, #tpu.memory_space<hbm>> -> memref<1x80x128xi32, #tpu.memory_space<hbm>>
      %dma_wait3A_56 = tpu.memref_squeeze %dma_wait3A_55 : memref<1x80x128xi32, #tpu.memory_space<hbm>> -> memref<80x128xi32, #tpu.memory_space<hbm>>
      tpu.wait_dma2 semaphore(%run_scoped3A : memref<!tpu.dma_semaphore, #tpu.memory_space<semaphore_mem>>) src(%dma_wait3A_56 : memref<80x128xi32, #tpu.memory_space<hbm>>) dst(%arg7 : memref<80x128xi32, #tpu.memory_space<vmem>>)
      tpu.yield
    }) : () -> ()
    %barrier3A = arith.constant 0 : index
    tpu.barrier barrier_id(%barrier3A)
    %scan3A = arith.constant 0 : i32
    %scan3A_5 = arith.constant 0 : i32
    %scan3A_6 = arith.constant 20 : i32
    %scan3A_7 = arith.addi %scan3A_5, %scan3A_6 : i32
    %scan3A_8 = arith.constant 1 : i32
    scf.for %scan3A_42 = %scan3A_5 to %scan3A_7 step %scan3A_8  : i32 {
      %mul3A_43 = arith.constant 4 : i32
      %mul3A_44 = arith.muli %scan3A_42, %mul3A_43 : i32
      %add3A_45 = arith.constant 0 : i32
      %add3A_46 = arith.addi %mul3A_44, %add3A_45 : i32
      %gt3A = arith.constant 0 : i32
      %gt3A_47 = arith.cmpi sgt, %scan3A_42, %gt3A : i32
      %convert_element_type3A = arith.extui %gt3A_47 : i1 to i32
      %cond3A = arith.constant 0 : i32
      %cond3A_48 = arith.cmpi ne, %convert_element_type3A, %cond3A : i32
      scf.if %cond3A_48 {
        %dma_wait3A_99 = arith.constant 0 : i32
        %dma_wait3A_100 = tpu.memref_slice %arg7[%add3A_46, %dma_wait3A_99] : memref<80x128xi32, #tpu.memory_space<vmem>> -> memref<1x128xi32, #tpu.memory_space<vmem>>
        %dma_wait3A_101 = tpu.memref_squeeze %dma_wait3A_100 : memref<1x128xi32, #tpu.memory_space<vmem>> -> memref<128xi32, #tpu.memory_space<vmem>>
        %dma_wait3A_102 = arith.constant 0 : i32
        %dma_wait3A_103 = arith.constant 0 : i32
        %dma_wait3A_104 = tpu.memref_slice %arg6[%dma_wait3A_102, %dma_wait3A_103] : memref<10240x16xf32, #tpu.memory_space<vmem_shared>> -> memref<10240x16xf32, #tpu.memory_space<vmem_shared>>
        tpu.wait_indirect_dma semaphore(%arg9 : memref<!tpu.dma_semaphore, #tpu.memory_space<semaphore_mem>>) src(%arg8 : memref<128x16xf32, #tpu.memory_space<vmem>>) dst(%dma_wait3A_104 : memref<10240x16xf32, #tpu.memory_space<vmem_shared>>)
      } else {
      }
      %dma_start3A = arith.constant 0 : i32
      %dma_start3A_49 = tpu.memref_slice %arg7[%add3A_46, %dma_start3A] : memref<80x128xi32, #tpu.memory_space<vmem>> -> memref<1x128xi32, #tpu.memory_space<vmem>>
      %dma_start3A_50 = tpu.memref_squeeze %dma_start3A_49 : memref<1x128xi32, #tpu.memory_space<vmem>> -> memref<128xi32, #tpu.memory_space<vmem>>
      %dma_start3A_51 = arith.constant 0 : i32
      %dma_start3A_52 = arith.constant 0 : i32
      %dma_start3A_53 = tpu.memref_slice %arg6[%dma_start3A_51, %dma_start3A_52] : memref<10240x16xf32, #tpu.memory_space<vmem_shared>> -> memref<10240x16xf32, #tpu.memory_space<vmem_shared>>
      tpu.enqueue_indirect_dma source(%arg8 : memref<128x16xf32, #tpu.memory_space<vmem>>) target(%dma_start3A_53 : memref<10240x16xf32, #tpu.memory_space<vmem_shared>>) offsets(%dma_start3A_50 : memref<128xi32, #tpu.memory_space<vmem>>) semaphore(%arg9 : memref<!tpu.dma_semaphore, #tpu.memory_space<semaphore_mem>>) {add = true}
      %mul3A_54 = arith.constant 4 : i32
      %mul3A_55 = arith.muli %scan3A_42, %mul3A_54 : i32
      %add3A_56 = arith.constant 1 : i32
      %add3A_57 = arith.addi %mul3A_55, %add3A_56 : i32
      %gt3A_58 = arith.constant 0 : i32
      %gt3A_59 = arith.cmpi sgt, %scan3A_42, %gt3A_58 : i32
      %convert_element_type3A_60 = arith.extui %gt3A_59 : i1 to i32
      %cond3A_61 = arith.constant 0 : i32
      %cond3A_62 = arith.cmpi ne, %convert_element_type3A_60, %cond3A_61 : i32
      scf.if %cond3A_62 {
        %dma_wait3A_99 = arith.constant 0 : i32
        %dma_wait3A_100 = tpu.memref_slice %arg7[%add3A_57, %dma_wait3A_99] : memref<80x128xi32, #tpu.memory_space<vmem>> -> memref<1x128xi32, #tpu.memory_space<vmem>>
        %dma_wait3A_101 = tpu.memref_squeeze %dma_wait3A_100 : memref<1x128xi32, #tpu.memory_space<vmem>> -> memref<128xi32, #tpu.memory_space<vmem>>
        %dma_wait3A_102 = arith.constant 0 : i32
        %dma_wait3A_103 = arith.constant 0 : i32
        %dma_wait3A_104 = tpu.memref_slice %arg6[%dma_wait3A_102, %dma_wait3A_103] : memref<10240x16xf32, #tpu.memory_space<vmem_shared>> -> memref<10240x16xf32, #tpu.memory_space<vmem_shared>>
        tpu.wait_indirect_dma semaphore(%arg10 : memref<!tpu.dma_semaphore, #tpu.memory_space<semaphore_mem>>) src(%arg8 : memref<128x16xf32, #tpu.memory_space<vmem>>) dst(%dma_wait3A_104 : memref<10240x16xf32, #tpu.memory_space<vmem_shared>>)
      } else {
      }
      %dma_start3A_63 = arith.constant 0 : i32
      %dma_start3A_64 = tpu.memref_slice %arg7[%add3A_57, %dma_start3A_63] : memref<80x128xi32, #tpu.memory_space<vmem>> -> memref<1x128xi32, #tpu.memory_space<vmem>>
      %dma_start3A_65 = tpu.memref_squeeze %dma_start3A_64 : memref<1x128xi32, #tpu.memory_space<vmem>> -> memref<128xi32, #tpu.memory_space<vmem>>
      %dma_start3A_66 = arith.constant 0 : i32
      %dma_start3A_67 = arith.constant 0 : i32
      %dma_start3A_68 = tpu.memref_slice %arg6[%dma_start3A_66, %dma_start3A_67] : memref<10240x16xf32, #tpu.memory_space<vmem_shared>> -> memref<10240x16xf32, #tpu.memory_space<vmem_shared>>
      tpu.enqueue_indirect_dma source(%arg8 : memref<128x16xf32, #tpu.memory_space<vmem>>) target(%dma_start3A_68 : memref<10240x16xf32, #tpu.memory_space<vmem_shared>>) offsets(%dma_start3A_65 : memref<128xi32, #tpu.memory_space<vmem>>) semaphore(%arg10 : memref<!tpu.dma_semaphore, #tpu.memory_space<semaphore_mem>>) {add = true}
      %mul3A_69 = arith.constant 4 : i32
      %mul3A_70 = arith.muli %scan3A_42, %mul3A_69 : i32
      %add3A_71 = arith.constant 2 : i32
      %add3A_72 = arith.addi %mul3A_70, %add3A_71 : i32
      %gt3A_73 = arith.constant 0 : i32
      %gt3A_74 = arith.cmpi sgt, %scan3A_42, %gt3A_73 : i32
      %convert_element_type3A_75 = arith.extui %gt3A_74 : i1 to i32
      %cond3A_76 = arith.constant 0 : i32
      %cond3A_77 = arith.cmpi ne, %convert_element_type3A_75, %cond3A_76 : i32
      scf.if %cond3A_77 {
        %dma_wait3A_99 = arith.constant 0 : i32
        %dma_wait3A_100 = tpu.memref_slice %arg7[%add3A_72, %dma_wait3A_99] : memref<80x128xi32, #tpu.memory_space<vmem>> -> memref<1x128xi32, #tpu.memory_space<vmem>>
        %dma_wait3A_101 = tpu.memref_squeeze %dma_wait3A_100 : memref<1x128xi32, #tpu.memory_space<vmem>> -> memref<128xi32, #tpu.memory_space<vmem>>
        %dma_wait3A_102 = arith.constant 0 : i32
        %dma_wait3A_103 = arith.constant 0 : i32
        %dma_wait3A_104 = tpu.memref_slice %arg6[%dma_wait3A_102, %dma_wait3A_103] : memref<10240x16xf32, #tpu.memory_space<vmem_shared>> -> memref<10240x16xf32, #tpu.memory_space<vmem_shared>>
        tpu.wait_indirect_dma semaphore(%arg11 : memref<!tpu.dma_semaphore, #tpu.memory_space<semaphore_mem>>) src(%arg8 : memref<128x16xf32, #tpu.memory_space<vmem>>) dst(%dma_wait3A_104 : memref<10240x16xf32, #tpu.memory_space<vmem_shared>>)
      } else {
      }
      %dma_start3A_78 = arith.constant 0 : i32
      %dma_start3A_79 = tpu.memref_slice %arg7[%add3A_72, %dma_start3A_78] : memref<80x128xi32, #tpu.memory_space<vmem>> -> memref<1x128xi32, #tpu.memory_space<vmem>>
      %dma_start3A_80 = tpu.memref_squeeze %dma_start3A_79 : memref<1x128xi32, #tpu.memory_space<vmem>> -> memref<128xi32, #tpu.memory_space<vmem>>
      %dma_start3A_81 = arith.constant 0 : i32
      %dma_start3A_82 = arith.constant 0 : i32
      %dma_start3A_83 = tpu.memref_slice %arg6[%dma_start3A_81, %dma_start3A_82] : memref<10240x16xf32, #tpu.memory_space<vmem_shared>> -> memref<10240x16xf32, #tpu.memory_space<vmem_shared>>
      tpu.enqueue_indirect_dma source(%arg8 : memref<128x16xf32, #tpu.memory_space<vmem>>) target(%dma_start3A_83 : memref<10240x16xf32, #tpu.memory_space<vmem_shared>>) offsets(%dma_start3A_80 : memref<128xi32, #tpu.memory_space<vmem>>) semaphore(%arg11 : memref<!tpu.dma_semaphore, #tpu.memory_space<semaphore_mem>>) {add = true}
      %mul3A_84 = arith.constant 4 : i32
      %mul3A_85 = arith.muli %scan3A_42, %mul3A_84 : i32
      %add3A_86 = arith.constant 3 : i32
      %add3A_87 = arith.addi %mul3A_85, %add3A_86 : i32
      %gt3A_88 = arith.constant 0 : i32
      %gt3A_89 = arith.cmpi sgt, %scan3A_42, %gt3A_88 : i32
      %convert_element_type3A_90 = arith.extui %gt3A_89 : i1 to i32
      %cond3A_91 = arith.constant 0 : i32
      %cond3A_92 = arith.cmpi ne, %convert_element_type3A_90, %cond3A_91 : i32
      scf.if %cond3A_92 {
        %dma_wait3A_99 = arith.constant 0 : i32
        %dma_wait3A_100 = tpu.memref_slice %arg7[%add3A_87, %dma_wait3A_99] : memref<80x128xi32, #tpu.memory_space<vmem>> -> memref<1x128xi32, #tpu.memory_space<vmem>>
        %dma_wait3A_101 = tpu.memref_squeeze %dma_wait3A_100 : memref<1x128xi32, #tpu.memory_space<vmem>> -> memref<128xi32, #tpu.memory_space<vmem>>
        %dma_wait3A_102 = arith.constant 0 : i32
        %dma_wait3A_103 = arith.constant 0 : i32
        %dma_wait3A_104 = tpu.memref_slice %arg6[%dma_wait3A_102, %dma_wait3A_103] : memref<10240x16xf32, #tpu.memory_space<vmem_shared>> -> memref<10240x16xf32, #tpu.memory_space<vmem_shared>>
        tpu.wait_indirect_dma semaphore(%arg12 : memref<!tpu.dma_semaphore, #tpu.memory_space<semaphore_mem>>) src(%arg8 : memref<128x16xf32, #tpu.memory_space<vmem>>) dst(%dma_wait3A_104 : memref<10240x16xf32, #tpu.memory_space<vmem_shared>>)
      } else {
      }
      %dma_start3A_93 = arith.constant 0 : i32
      %dma_start3A_94 = tpu.memref_slice %arg7[%add3A_87, %dma_start3A_93] : memref<80x128xi32, #tpu.memory_space<vmem>> -> memref<1x128xi32, #tpu.memory_space<vmem>>
      %dma_start3A_95 = tpu.memref_squeeze %dma_start3A_94 : memref<1x128xi32, #tpu.memory_space<vmem>> -> memref<128xi32, #tpu.memory_space<vmem>>
      %dma_start3A_96 = arith.constant 0 : i32
      %dma_start3A_97 = arith.constant 0 : i32
      %dma_start3A_98 = tpu.memref_slice %arg6[%dma_start3A_96, %dma_start3A_97] : memref<10240x16xf32, #tpu.memory_space<vmem_shared>> -> memref<10240x16xf32, #tpu.memory_space<vmem_shared>>
      tpu.enqueue_indirect_dma source(%arg8 : memref<128x16xf32, #tpu.memory_space<vmem>>) target(%dma_start3A_98 : memref<10240x16xf32, #tpu.memory_space<vmem_shared>>) offsets(%dma_start3A_95 : memref<128xi32, #tpu.memory_space<vmem>>) semaphore(%arg12 : memref<!tpu.dma_semaphore, #tpu.memory_space<semaphore_mem>>) {add = true}
    }
    %scan3A_9 = arith.constant 20 : i32
    %dma_wait3A = arith.constant 0 : i32
    %dma_wait3A_10 = arith.constant 0 : i32
    %dma_wait3A_11 = tpu.memref_slice %arg7[%dma_wait3A, %dma_wait3A_10] : memref<80x128xi32, #tpu.memory_space<vmem>> -> memref<1x128xi32, #tpu.memory_space<vmem>>
    %dma_wait3A_12 = tpu.memref_squeeze %dma_wait3A_11 : memref<1x128xi32, #tpu.memory_space<vmem>> -> memref<128xi32, #tpu.memory_space<vmem>>
    %dma_wait3A_13 = arith.constant 0 : i32
    %dma_wait3A_14 = arith.constant 0 : i32
    %dma_wait3A_15 = tpu.memref_slice %arg6[%dma_wait3A_13, %dma_wait3A_14] : memref<10240x16xf32, #tpu.memory_space<vmem_shared>> -> memref<10240x16xf32, #tpu.memory_space<vmem_shared>>
    tpu.wait_indirect_dma semaphore(%arg9 : memref<!tpu.dma_semaphore, #tpu.memory_space<semaphore_mem>>) src(%arg8 : memref<128x16xf32, #tpu.memory_space<vmem>>) dst(%dma_wait3A_15 : memref<10240x16xf32, #tpu.memory_space<vmem_shared>>)
    %dma_wait3A_16 = arith.constant 1 : i32
    %dma_wait3A_17 = arith.constant 0 : i32
    %dma_wait3A_18 = tpu.memref_slice %arg7[%dma_wait3A_16, %dma_wait3A_17] : memref<80x128xi32, #tpu.memory_space<vmem>> -> memref<1x128xi32, #tpu.memory_space<vmem>>
    %dma_wait3A_19 = tpu.memref_squeeze %dma_wait3A_18 : memref<1x128xi32, #tpu.memory_space<vmem>> -> memref<128xi32, #tpu.memory_space<vmem>>
    %dma_wait3A_20 = arith.constant 0 : i32
    %dma_wait3A_21 = arith.constant 0 : i32
    %dma_wait3A_22 = tpu.memref_slice %arg6[%dma_wait3A_20, %dma_wait3A_21] : memref<10240x16xf32, #tpu.memory_space<vmem_shared>> -> memref<10240x16xf32, #tpu.memory_space<vmem_shared>>
    tpu.wait_indirect_dma semaphore(%arg10 : memref<!tpu.dma_semaphore, #tpu.memory_space<semaphore_mem>>) src(%arg8 : memref<128x16xf32, #tpu.memory_space<vmem>>) dst(%dma_wait3A_22 : memref<10240x16xf32, #tpu.memory_space<vmem_shared>>)
    %dma_wait3A_23 = arith.constant 2 : i32
    %dma_wait3A_24 = arith.constant 0 : i32
    %dma_wait3A_25 = tpu.memref_slice %arg7[%dma_wait3A_23, %dma_wait3A_24] : memref<80x128xi32, #tpu.memory_space<vmem>> -> memref<1x128xi32, #tpu.memory_space<vmem>>
    %dma_wait3A_26 = tpu.memref_squeeze %dma_wait3A_25 : memref<1x128xi32, #tpu.memory_space<vmem>> -> memref<128xi32, #tpu.memory_space<vmem>>
    %dma_wait3A_27 = arith.constant 0 : i32
    %dma_wait3A_28 = arith.constant 0 : i32
    %dma_wait3A_29 = tpu.memref_slice %arg6[%dma_wait3A_27, %dma_wait3A_28] : memref<10240x16xf32, #tpu.memory_space<vmem_shared>> -> memref<10240x16xf32, #tpu.memory_space<vmem_shared>>
    tpu.wait_indirect_dma semaphore(%arg11 : memref<!tpu.dma_semaphore, #tpu.memory_space<semaphore_mem>>) src(%arg8 : memref<128x16xf32, #tpu.memory_space<vmem>>) dst(%dma_wait3A_29 : memref<10240x16xf32, #tpu.memory_space<vmem_shared>>)
    %dma_wait3A_30 = arith.constant 3 : i32
    %dma_wait3A_31 = arith.constant 0 : i32
    %dma_wait3A_32 = tpu.memref_slice %arg7[%dma_wait3A_30, %dma_wait3A_31] : memref<80x128xi32, #tpu.memory_space<vmem>> -> memref<1x128xi32, #tpu.memory_space<vmem>>
    %dma_wait3A_33 = tpu.memref_squeeze %dma_wait3A_32 : memref<1x128xi32, #tpu.memory_space<vmem>> -> memref<128xi32, #tpu.memory_space<vmem>>
    %dma_wait3A_34 = arith.constant 0 : i32
    %dma_wait3A_35 = arith.constant 0 : i32
    %dma_wait3A_36 = tpu.memref_slice %arg6[%dma_wait3A_34, %dma_wait3A_35] : memref<10240x16xf32, #tpu.memory_space<vmem_shared>> -> memref<10240x16xf32, #tpu.memory_space<vmem_shared>>
    tpu.wait_indirect_dma semaphore(%arg12 : memref<!tpu.dma_semaphore, #tpu.memory_space<semaphore_mem>>) src(%arg8 : memref<128x16xf32, #tpu.memory_space<vmem>>) dst(%dma_wait3A_36 : memref<10240x16xf32, #tpu.memory_space<vmem_shared>>)
    %barrier3A_37 = arith.constant 0 : index
    tpu.barrier barrier_id(%barrier3A_37)
    %mul3A_38 = arith.constant 640 : i32
    %mul3A_39 = arith.muli %arg1, %mul3A_38 : i32
    %mul3A_40 = arith.constant 640 : i32
    %mul3A_41 = arith.muli %arg1, %mul3A_40 : i32
    "tpu.region"() ({
      %run_scoped3A = tpu.sem_alloc : memref<!tpu.dma_semaphore, #tpu.memory_space<semaphore_mem>>
      %dma_start3A = arith.constant 0 : i32
      %dma_start3A_42 = tpu.memref_slice %arg5[%arg0, %mul3A_41, %dma_start3A] : memref<2x10240x16xf32, #tpu.memory_space<hbm>> -> memref<1x640x16xf32, #tpu.memory_space<hbm>>
      %dma_start3A_43 = tpu.memref_squeeze %dma_start3A_42 : memref<1x640x16xf32, #tpu.memory_space<hbm>> -> memref<640x16xf32, #tpu.memory_space<hbm>>
      %dma_start3A_44 = arith.constant 0 : i32
      %dma_start3A_45 = tpu.memref_slice %arg6[%mul3A_39, %dma_start3A_44] : memref<10240x16xf32, #tpu.memory_space<vmem_shared>> -> memref<640x16xf32, #tpu.memory_space<vmem_shared>>
      tpu.enqueue_dma source(%dma_start3A_45 : memref<640x16xf32, #tpu.memory_space<vmem_shared>>) target(%dma_start3A_43 : memref<640x16xf32, #tpu.memory_space<hbm>>) target_semaphore(%run_scoped3A : memref<!tpu.dma_semaphore, #tpu.memory_space<semaphore_mem>>)
      %dma_wait3A_46 = arith.constant 0 : i32
      %dma_wait3A_47 = tpu.memref_slice %arg5[%arg0, %mul3A_41, %dma_wait3A_46] : memref<2x10240x16xf32, #tpu.memory_space<hbm>> -> memref<1x640x16xf32, #tpu.memory_space<hbm>>
      %dma_wait3A_48 = tpu.memref_squeeze %dma_wait3A_47 : memref<1x640x16xf32, #tpu.memory_space<hbm>> -> memref<640x16xf32, #tpu.memory_space<hbm>>
      %dma_wait3A_49 = arith.constant 0 : i32
      %dma_wait3A_50 = tpu.memref_slice %arg6[%mul3A_39, %dma_wait3A_49] : memref<10240x16xf32, #tpu.memory_space<vmem_shared>> -> memref<640x16xf32, #tpu.memory_space<vmem_shared>>
      tpu.wait_dma2 semaphore(%run_scoped3A : memref<!tpu.dma_semaphore, #tpu.memory_space<semaphore_mem>>) src(%dma_wait3A_50 : memref<640x16xf32, #tpu.memory_space<vmem_shared>>) dst(%dma_wait3A_48 : memref<640x16xf32, #tpu.memory_space<hbm>>)
      tpu.yield
    }) : () -> ()
    return
  }
}

#map = affine_map<(d0, d1) -> (0, 0)>
#map1 = affine_map<(d0, d1) -> (0, 0, 0)>
module attributes {stable_mosaic.version = 14 : i64} {
  func.func @sc_agg(%arg0: i32, %arg1: i32, %arg2: memref<10240x64xf32, #tpu.memory_space<hbm>>, %arg3: memref<32x80x128xi32, #tpu.memory_space<hbm>>, %arg4: memref<32x80x128xi32, #tpu.memory_space<hbm>>, %arg5: memref<10240x64xf32, #tpu.memory_space<hbm>>, %arg6: memref<2x10240x64xf32, #tpu.memory_space<hbm>>, %arg7: memref<10240x64xf32, #tpu.memory_space<vmem_shared>>, %arg8: memref<80x128xi32, #tpu.memory_space<vmem>>, %arg9: memref<80x128xi32, #tpu.memory_space<vmem>>, %arg10: memref<128x64xf32, #tpu.memory_space<vmem>>, %arg11: memref<128x64xf32, #tpu.memory_space<vmem>>, %arg12: memref<128x64xf32, #tpu.memory_space<vmem>>, %arg13: memref<128x64xf32, #tpu.memory_space<vmem>>, %arg14: memref<!tpu.dma_semaphore, #tpu.memory_space<semaphore_mem>>, %arg15: memref<!tpu.dma_semaphore, #tpu.memory_space<semaphore_mem>>, %arg16: memref<!tpu.dma_semaphore, #tpu.memory_space<semaphore_mem>>, %arg17: memref<!tpu.dma_semaphore, #tpu.memory_space<semaphore_mem>>) attributes {dimension_semantics = [#tpu.dimension_semantics<core_parallel>, #tpu.dimension_semantics<subcore_parallel>], iteration_bounds = array<i64: 2, 16>, scalar_prefetch = 0 : i64, scratch_operands = 11 : i64, tpu.core_type = #tpu.core_type<sc_vector_subcore>, window_params = [{transform_indices = #map}, {transform_indices = #map1}, {transform_indices = #map1}, {transform_indices = #map}, {transform_indices = #map1}]} {
    %mul3A = arith.constant 2 : i32
    %mul3A_0 = arith.muli %arg1, %mul3A : i32
    %add3A = arith.addi %mul3A_0, %arg0 : i32
    %mul3A_1 = arith.constant 640 : i32
    %mul3A_2 = arith.muli %arg1, %mul3A_1 : i32
    %mul3A_3 = arith.constant 640 : i32
    %mul3A_4 = arith.muli %arg1, %mul3A_3 : i32
    "tpu.region"() ({
      %run_scoped3A = tpu.sem_alloc : memref<!tpu.dma_semaphore, #tpu.memory_space<semaphore_mem>>
      %dma_start3A_42 = arith.constant 0 : i32
      %dma_start3A_43 = tpu.memref_slice %arg7[%mul3A_4, %dma_start3A_42] : memref<10240x64xf32, #tpu.memory_space<vmem_shared>> -> memref<640x64xf32, #tpu.memory_space<vmem_shared>>
      %dma_start3A_44 = arith.constant 0 : i32
      %dma_start3A_45 = tpu.memref_slice %arg5[%mul3A_2, %dma_start3A_44] : memref<10240x64xf32, #tpu.memory_space<hbm>> -> memref<640x64xf32, #tpu.memory_space<hbm>>
      tpu.enqueue_dma source(%dma_start3A_45 : memref<640x64xf32, #tpu.memory_space<hbm>>) target(%dma_start3A_43 : memref<640x64xf32, #tpu.memory_space<vmem_shared>>) target_semaphore(%run_scoped3A : memref<!tpu.dma_semaphore, #tpu.memory_space<semaphore_mem>>)
      %dma_wait3A = arith.constant 0 : i32
      %dma_wait3A_46 = tpu.memref_slice %arg7[%mul3A_4, %dma_wait3A] : memref<10240x64xf32, #tpu.memory_space<vmem_shared>> -> memref<640x64xf32, #tpu.memory_space<vmem_shared>>
      %dma_wait3A_47 = arith.constant 0 : i32
      %dma_wait3A_48 = tpu.memref_slice %arg5[%mul3A_2, %dma_wait3A_47] : memref<10240x64xf32, #tpu.memory_space<hbm>> -> memref<640x64xf32, #tpu.memory_space<hbm>>
      tpu.wait_dma2 semaphore(%run_scoped3A : memref<!tpu.dma_semaphore, #tpu.memory_space<semaphore_mem>>) src(%dma_wait3A_48 : memref<640x64xf32, #tpu.memory_space<hbm>>) dst(%dma_wait3A_46 : memref<640x64xf32, #tpu.memory_space<vmem_shared>>)
      tpu.yield
    }) : () -> ()
    "tpu.region"() ({
      %run_scoped3A = tpu.sem_alloc : memref<!tpu.dma_semaphore, #tpu.memory_space<semaphore_mem>>
      %dma_start3A_42 = arith.constant 0 : i32
      %dma_start3A_43 = arith.constant 0 : i32
      %dma_start3A_44 = tpu.memref_slice %arg3[%add3A, %dma_start3A_42, %dma_start3A_43] : memref<32x80x128xi32, #tpu.memory_space<hbm>> -> memref<1x80x128xi32, #tpu.memory_space<hbm>>
      %dma_start3A_45 = tpu.memref_squeeze %dma_start3A_44 : memref<1x80x128xi32, #tpu.memory_space<hbm>> -> memref<80x128xi32, #tpu.memory_space<hbm>>
      %dma_start3A_46 = arith.constant 0 : i32
      %dma_start3A_47 = arith.constant 0 : i32
      %dma_start3A_48 = tpu.memref_slice %arg3[%add3A, %dma_start3A_46, %dma_start3A_47] : memref<32x80x128xi32, #tpu.memory_space<hbm>> -> memref<1x80x128xi32, #tpu.memory_space<hbm>>
      %dma_start3A_49 = tpu.memref_squeeze %dma_start3A_48 : memref<1x80x128xi32, #tpu.memory_space<hbm>> -> memref<80x128xi32, #tpu.memory_space<hbm>>
      tpu.enqueue_dma source(%dma_start3A_49 : memref<80x128xi32, #tpu.memory_space<hbm>>) target(%arg8 : memref<80x128xi32, #tpu.memory_space<vmem>>) target_semaphore(%run_scoped3A : memref<!tpu.dma_semaphore, #tpu.memory_space<semaphore_mem>>)
      %dma_wait3A = arith.constant 0 : i32
      %dma_wait3A_50 = arith.constant 0 : i32
      %dma_wait3A_51 = tpu.memref_slice %arg3[%add3A, %dma_wait3A, %dma_wait3A_50] : memref<32x80x128xi32, #tpu.memory_space<hbm>> -> memref<1x80x128xi32, #tpu.memory_space<hbm>>
      %dma_wait3A_52 = tpu.memref_squeeze %dma_wait3A_51 : memref<1x80x128xi32, #tpu.memory_space<hbm>> -> memref<80x128xi32, #tpu.memory_space<hbm>>
      %dma_wait3A_53 = arith.constant 0 : i32
      %dma_wait3A_54 = arith.constant 0 : i32
      %dma_wait3A_55 = tpu.memref_slice %arg3[%add3A, %dma_wait3A_53, %dma_wait3A_54] : memref<32x80x128xi32, #tpu.memory_space<hbm>> -> memref<1x80x128xi32, #tpu.memory_space<hbm>>
      %dma_wait3A_56 = tpu.memref_squeeze %dma_wait3A_55 : memref<1x80x128xi32, #tpu.memory_space<hbm>> -> memref<80x128xi32, #tpu.memory_space<hbm>>
      tpu.wait_dma2 semaphore(%run_scoped3A : memref<!tpu.dma_semaphore, #tpu.memory_space<semaphore_mem>>) src(%dma_wait3A_56 : memref<80x128xi32, #tpu.memory_space<hbm>>) dst(%arg8 : memref<80x128xi32, #tpu.memory_space<vmem>>)
      tpu.yield
    }) : () -> ()
    "tpu.region"() ({
      %run_scoped3A = tpu.sem_alloc : memref<!tpu.dma_semaphore, #tpu.memory_space<semaphore_mem>>
      %dma_start3A_42 = arith.constant 0 : i32
      %dma_start3A_43 = arith.constant 0 : i32
      %dma_start3A_44 = tpu.memref_slice %arg4[%add3A, %dma_start3A_42, %dma_start3A_43] : memref<32x80x128xi32, #tpu.memory_space<hbm>> -> memref<1x80x128xi32, #tpu.memory_space<hbm>>
      %dma_start3A_45 = tpu.memref_squeeze %dma_start3A_44 : memref<1x80x128xi32, #tpu.memory_space<hbm>> -> memref<80x128xi32, #tpu.memory_space<hbm>>
      %dma_start3A_46 = arith.constant 0 : i32
      %dma_start3A_47 = arith.constant 0 : i32
      %dma_start3A_48 = tpu.memref_slice %arg4[%add3A, %dma_start3A_46, %dma_start3A_47] : memref<32x80x128xi32, #tpu.memory_space<hbm>> -> memref<1x80x128xi32, #tpu.memory_space<hbm>>
      %dma_start3A_49 = tpu.memref_squeeze %dma_start3A_48 : memref<1x80x128xi32, #tpu.memory_space<hbm>> -> memref<80x128xi32, #tpu.memory_space<hbm>>
      tpu.enqueue_dma source(%dma_start3A_49 : memref<80x128xi32, #tpu.memory_space<hbm>>) target(%arg9 : memref<80x128xi32, #tpu.memory_space<vmem>>) target_semaphore(%run_scoped3A : memref<!tpu.dma_semaphore, #tpu.memory_space<semaphore_mem>>)
      %dma_wait3A = arith.constant 0 : i32
      %dma_wait3A_50 = arith.constant 0 : i32
      %dma_wait3A_51 = tpu.memref_slice %arg4[%add3A, %dma_wait3A, %dma_wait3A_50] : memref<32x80x128xi32, #tpu.memory_space<hbm>> -> memref<1x80x128xi32, #tpu.memory_space<hbm>>
      %dma_wait3A_52 = tpu.memref_squeeze %dma_wait3A_51 : memref<1x80x128xi32, #tpu.memory_space<hbm>> -> memref<80x128xi32, #tpu.memory_space<hbm>>
      %dma_wait3A_53 = arith.constant 0 : i32
      %dma_wait3A_54 = arith.constant 0 : i32
      %dma_wait3A_55 = tpu.memref_slice %arg4[%add3A, %dma_wait3A_53, %dma_wait3A_54] : memref<32x80x128xi32, #tpu.memory_space<hbm>> -> memref<1x80x128xi32, #tpu.memory_space<hbm>>
      %dma_wait3A_56 = tpu.memref_squeeze %dma_wait3A_55 : memref<1x80x128xi32, #tpu.memory_space<hbm>> -> memref<80x128xi32, #tpu.memory_space<hbm>>
      tpu.wait_dma2 semaphore(%run_scoped3A : memref<!tpu.dma_semaphore, #tpu.memory_space<semaphore_mem>>) src(%dma_wait3A_56 : memref<80x128xi32, #tpu.memory_space<hbm>>) dst(%arg9 : memref<80x128xi32, #tpu.memory_space<vmem>>)
      tpu.yield
    }) : () -> ()
    %barrier3A = arith.constant 0 : index
    tpu.barrier barrier_id(%barrier3A)
    %dma_start3A = arith.constant 0 : i32
    %dma_start3A_5 = arith.constant 0 : i32
    %dma_start3A_6 = tpu.memref_slice %arg8[%dma_start3A, %dma_start3A_5] : memref<80x128xi32, #tpu.memory_space<vmem>> -> memref<1x128xi32, #tpu.memory_space<vmem>>
    %dma_start3A_7 = tpu.memref_squeeze %dma_start3A_6 : memref<1x128xi32, #tpu.memory_space<vmem>> -> memref<128xi32, #tpu.memory_space<vmem>>
    %dma_start3A_8 = arith.constant 0 : i32
    %dma_start3A_9 = arith.constant 0 : i32
    %dma_start3A_10 = tpu.memref_slice %arg2[%dma_start3A_8, %dma_start3A_9] : memref<10240x64xf32, #tpu.memory_space<hbm>> -> memref<10240x64xf32, #tpu.memory_space<hbm>>
    tpu.enqueue_indirect_dma source(%dma_start3A_10 : memref<10240x64xf32, #tpu.memory_space<hbm>>) target(%arg10 : memref<128x64xf32, #tpu.memory_space<vmem>>) offsets(%dma_start3A_7 : memref<128xi32, #tpu.memory_space<vmem>>) semaphore(%arg14 : memref<!tpu.dma_semaphore, #tpu.memory_space<semaphore_mem>>)
    %dma_start3A_11 = arith.constant 1 : i32
    %dma_start3A_12 = arith.constant 0 : i32
    %dma_start3A_13 = tpu.memref_slice %arg8[%dma_start3A_11, %dma_start3A_12] : memref<80x128xi32, #tpu.memory_space<vmem>> -> memref<1x128xi32, #tpu.memory_space<vmem>>
    %dma_start3A_14 = tpu.memref_squeeze %dma_start3A_13 : memref<1x128xi32, #tpu.memory_space<vmem>> -> memref<128xi32, #tpu.memory_space<vmem>>
    %dma_start3A_15 = arith.constant 0 : i32
    %dma_start3A_16 = arith.constant 0 : i32
    %dma_start3A_17 = tpu.memref_slice %arg2[%dma_start3A_15, %dma_start3A_16] : memref<10240x64xf32, #tpu.memory_space<hbm>> -> memref<10240x64xf32, #tpu.memory_space<hbm>>
    tpu.enqueue_indirect_dma source(%dma_start3A_17 : memref<10240x64xf32, #tpu.memory_space<hbm>>) target(%arg11 : memref<128x64xf32, #tpu.memory_space<vmem>>) offsets(%dma_start3A_14 : memref<128xi32, #tpu.memory_space<vmem>>) semaphore(%arg15 : memref<!tpu.dma_semaphore, #tpu.memory_space<semaphore_mem>>)
    %dma_start3A_18 = arith.constant 2 : i32
    %dma_start3A_19 = arith.constant 0 : i32
    %dma_start3A_20 = tpu.memref_slice %arg8[%dma_start3A_18, %dma_start3A_19] : memref<80x128xi32, #tpu.memory_space<vmem>> -> memref<1x128xi32, #tpu.memory_space<vmem>>
    %dma_start3A_21 = tpu.memref_squeeze %dma_start3A_20 : memref<1x128xi32, #tpu.memory_space<vmem>> -> memref<128xi32, #tpu.memory_space<vmem>>
    %dma_start3A_22 = arith.constant 0 : i32
    %dma_start3A_23 = arith.constant 0 : i32
    %dma_start3A_24 = tpu.memref_slice %arg2[%dma_start3A_22, %dma_start3A_23] : memref<10240x64xf32, #tpu.memory_space<hbm>> -> memref<10240x64xf32, #tpu.memory_space<hbm>>
    tpu.enqueue_indirect_dma source(%dma_start3A_24 : memref<10240x64xf32, #tpu.memory_space<hbm>>) target(%arg12 : memref<128x64xf32, #tpu.memory_space<vmem>>) offsets(%dma_start3A_21 : memref<128xi32, #tpu.memory_space<vmem>>) semaphore(%arg16 : memref<!tpu.dma_semaphore, #tpu.memory_space<semaphore_mem>>)
    %dma_start3A_25 = arith.constant 3 : i32
    %dma_start3A_26 = arith.constant 0 : i32
    %dma_start3A_27 = tpu.memref_slice %arg8[%dma_start3A_25, %dma_start3A_26] : memref<80x128xi32, #tpu.memory_space<vmem>> -> memref<1x128xi32, #tpu.memory_space<vmem>>
    %dma_start3A_28 = tpu.memref_squeeze %dma_start3A_27 : memref<1x128xi32, #tpu.memory_space<vmem>> -> memref<128xi32, #tpu.memory_space<vmem>>
    %dma_start3A_29 = arith.constant 0 : i32
    %dma_start3A_30 = arith.constant 0 : i32
    %dma_start3A_31 = tpu.memref_slice %arg2[%dma_start3A_29, %dma_start3A_30] : memref<10240x64xf32, #tpu.memory_space<hbm>> -> memref<10240x64xf32, #tpu.memory_space<hbm>>
    tpu.enqueue_indirect_dma source(%dma_start3A_31 : memref<10240x64xf32, #tpu.memory_space<hbm>>) target(%arg13 : memref<128x64xf32, #tpu.memory_space<vmem>>) offsets(%dma_start3A_28 : memref<128xi32, #tpu.memory_space<vmem>>) semaphore(%arg17 : memref<!tpu.dma_semaphore, #tpu.memory_space<semaphore_mem>>)
    %scan3A = arith.constant 0 : i32
    %scan3A_32 = arith.constant 0 : i32
    %scan3A_33 = arith.constant 20 : i32
    %scan3A_34 = arith.addi %scan3A_32, %scan3A_33 : i32
    %scan3A_35 = arith.constant 1 : i32
    scf.for %scan3A_42 = %scan3A_32 to %scan3A_34 step %scan3A_35  : i32 {
      %mul3A_43 = arith.constant 4 : i32
      %mul3A_44 = arith.muli %scan3A_42, %mul3A_43 : i32
      %add3A_45 = arith.constant 0 : i32
      %add3A_46 = arith.addi %mul3A_44, %add3A_45 : i32
      %dma_wait3A = arith.constant 0 : i32
      %dma_wait3A_47 = tpu.memref_slice %arg8[%add3A_46, %dma_wait3A] : memref<80x128xi32, #tpu.memory_space<vmem>> -> memref<1x128xi32, #tpu.memory_space<vmem>>
      %dma_wait3A_48 = tpu.memref_squeeze %dma_wait3A_47 : memref<1x128xi32, #tpu.memory_space<vmem>> -> memref<128xi32, #tpu.memory_space<vmem>>
      %dma_wait3A_49 = arith.constant 0 : i32
      %dma_wait3A_50 = arith.constant 0 : i32
      %dma_wait3A_51 = tpu.memref_slice %arg2[%dma_wait3A_49, %dma_wait3A_50] : memref<10240x64xf32, #tpu.memory_space<hbm>> -> memref<10240x64xf32, #tpu.memory_space<hbm>>
      tpu.wait_indirect_dma semaphore(%arg14 : memref<!tpu.dma_semaphore, #tpu.memory_space<semaphore_mem>>) src(%dma_wait3A_51 : memref<10240x64xf32, #tpu.memory_space<hbm>>) dst(%arg10 : memref<128x64xf32, #tpu.memory_space<vmem>>)
      "tpu.region"() ({
        %run_scoped3A = tpu.sem_alloc : memref<!tpu.dma_semaphore, #tpu.memory_space<semaphore_mem>>
        %dma_start3A_99 = arith.constant 0 : i32
        %dma_start3A_100 = tpu.memref_slice %arg9[%add3A_46, %dma_start3A_99] : memref<80x128xi32, #tpu.memory_space<vmem>> -> memref<1x128xi32, #tpu.memory_space<vmem>>
        %dma_start3A_101 = tpu.memref_squeeze %dma_start3A_100 : memref<1x128xi32, #tpu.memory_space<vmem>> -> memref<128xi32, #tpu.memory_space<vmem>>
        %dma_start3A_102 = arith.constant 0 : i32
        %dma_start3A_103 = arith.constant 0 : i32
        %dma_start3A_104 = tpu.memref_slice %arg7[%dma_start3A_102, %dma_start3A_103] : memref<10240x64xf32, #tpu.memory_space<vmem_shared>> -> memref<10240x64xf32, #tpu.memory_space<vmem_shared>>
        tpu.enqueue_indirect_dma source(%arg10 : memref<128x64xf32, #tpu.memory_space<vmem>>) target(%dma_start3A_104 : memref<10240x64xf32, #tpu.memory_space<vmem_shared>>) offsets(%dma_start3A_101 : memref<128xi32, #tpu.memory_space<vmem>>) semaphore(%run_scoped3A : memref<!tpu.dma_semaphore, #tpu.memory_space<semaphore_mem>>) {add = true}
        %dma_wait3A_105 = arith.constant 0 : i32
        %dma_wait3A_106 = tpu.memref_slice %arg9[%add3A_46, %dma_wait3A_105] : memref<80x128xi32, #tpu.memory_space<vmem>> -> memref<1x128xi32, #tpu.memory_space<vmem>>
        %dma_wait3A_107 = tpu.memref_squeeze %dma_wait3A_106 : memref<1x128xi32, #tpu.memory_space<vmem>> -> memref<128xi32, #tpu.memory_space<vmem>>
        %dma_wait3A_108 = arith.constant 0 : i32
        %dma_wait3A_109 = arith.constant 0 : i32
        %dma_wait3A_110 = tpu.memref_slice %arg7[%dma_wait3A_108, %dma_wait3A_109] : memref<10240x64xf32, #tpu.memory_space<vmem_shared>> -> memref<10240x64xf32, #tpu.memory_space<vmem_shared>>
        tpu.wait_indirect_dma semaphore(%run_scoped3A : memref<!tpu.dma_semaphore, #tpu.memory_space<semaphore_mem>>) src(%arg10 : memref<128x64xf32, #tpu.memory_space<vmem>>) dst(%dma_wait3A_110 : memref<10240x64xf32, #tpu.memory_space<vmem_shared>>)
        tpu.yield
      }) : () -> ()
      %lt3A = arith.constant 19 : i32
      %lt3A_52 = arith.cmpi slt, %scan3A_42, %lt3A : i32
      %convert_element_type3A = arith.extui %lt3A_52 : i1 to i32
      %cond3A = arith.constant 0 : i32
      %cond3A_53 = arith.cmpi ne, %convert_element_type3A, %cond3A : i32
      scf.if %cond3A_53 {
        %add3A_99 = arith.constant 4 : i32
        %add3A_100 = arith.addi %add3A_46, %add3A_99 : i32
        %dma_start3A_101 = arith.constant 0 : i32
        %dma_start3A_102 = tpu.memref_slice %arg8[%add3A_100, %dma_start3A_101] : memref<80x128xi32, #tpu.memory_space<vmem>> -> memref<1x128xi32, #tpu.memory_space<vmem>>
        %dma_start3A_103 = tpu.memref_squeeze %dma_start3A_102 : memref<1x128xi32, #tpu.memory_space<vmem>> -> memref<128xi32, #tpu.memory_space<vmem>>
        %dma_start3A_104 = arith.constant 0 : i32
        %dma_start3A_105 = arith.constant 0 : i32
        %dma_start3A_106 = tpu.memref_slice %arg2[%dma_start3A_104, %dma_start3A_105] : memref<10240x64xf32, #tpu.memory_space<hbm>> -> memref<10240x64xf32, #tpu.memory_space<hbm>>
        tpu.enqueue_indirect_dma source(%dma_start3A_106 : memref<10240x64xf32, #tpu.memory_space<hbm>>) target(%arg10 : memref<128x64xf32, #tpu.memory_space<vmem>>) offsets(%dma_start3A_103 : memref<128xi32, #tpu.memory_space<vmem>>) semaphore(%arg14 : memref<!tpu.dma_semaphore, #tpu.memory_space<semaphore_mem>>)
      } else {
      }
      %mul3A_54 = arith.constant 4 : i32
      %mul3A_55 = arith.muli %scan3A_42, %mul3A_54 : i32
      %add3A_56 = arith.constant 1 : i32
      %add3A_57 = arith.addi %mul3A_55, %add3A_56 : i32
      %dma_wait3A_58 = arith.constant 0 : i32
      %dma_wait3A_59 = tpu.memref_slice %arg8[%add3A_57, %dma_wait3A_58] : memref<80x128xi32, #tpu.memory_space<vmem>> -> memref<1x128xi32, #tpu.memory_space<vmem>>
      %dma_wait3A_60 = tpu.memref_squeeze %dma_wait3A_59 : memref<1x128xi32, #tpu.memory_space<vmem>> -> memref<128xi32, #tpu.memory_space<vmem>>
      %dma_wait3A_61 = arith.constant 0 : i32
      %dma_wait3A_62 = arith.constant 0 : i32
      %dma_wait3A_63 = tpu.memref_slice %arg2[%dma_wait3A_61, %dma_wait3A_62] : memref<10240x64xf32, #tpu.memory_space<hbm>> -> memref<10240x64xf32, #tpu.memory_space<hbm>>
      tpu.wait_indirect_dma semaphore(%arg15 : memref<!tpu.dma_semaphore, #tpu.memory_space<semaphore_mem>>) src(%dma_wait3A_63 : memref<10240x64xf32, #tpu.memory_space<hbm>>) dst(%arg11 : memref<128x64xf32, #tpu.memory_space<vmem>>)
      "tpu.region"() ({
        %run_scoped3A = tpu.sem_alloc : memref<!tpu.dma_semaphore, #tpu.memory_space<semaphore_mem>>
        %dma_start3A_99 = arith.constant 0 : i32
        %dma_start3A_100 = tpu.memref_slice %arg9[%add3A_57, %dma_start3A_99] : memref<80x128xi32, #tpu.memory_space<vmem>> -> memref<1x128xi32, #tpu.memory_space<vmem>>
        %dma_start3A_101 = tpu.memref_squeeze %dma_start3A_100 : memref<1x128xi32, #tpu.memory_space<vmem>> -> memref<128xi32, #tpu.memory_space<vmem>>
        %dma_start3A_102 = arith.constant 0 : i32
        %dma_start3A_103 = arith.constant 0 : i32
        %dma_start3A_104 = tpu.memref_slice %arg7[%dma_start3A_102, %dma_start3A_103] : memref<10240x64xf32, #tpu.memory_space<vmem_shared>> -> memref<10240x64xf32, #tpu.memory_space<vmem_shared>>
        tpu.enqueue_indirect_dma source(%arg11 : memref<128x64xf32, #tpu.memory_space<vmem>>) target(%dma_start3A_104 : memref<10240x64xf32, #tpu.memory_space<vmem_shared>>) offsets(%dma_start3A_101 : memref<128xi32, #tpu.memory_space<vmem>>) semaphore(%run_scoped3A : memref<!tpu.dma_semaphore, #tpu.memory_space<semaphore_mem>>) {add = true}
        %dma_wait3A_105 = arith.constant 0 : i32
        %dma_wait3A_106 = tpu.memref_slice %arg9[%add3A_57, %dma_wait3A_105] : memref<80x128xi32, #tpu.memory_space<vmem>> -> memref<1x128xi32, #tpu.memory_space<vmem>>
        %dma_wait3A_107 = tpu.memref_squeeze %dma_wait3A_106 : memref<1x128xi32, #tpu.memory_space<vmem>> -> memref<128xi32, #tpu.memory_space<vmem>>
        %dma_wait3A_108 = arith.constant 0 : i32
        %dma_wait3A_109 = arith.constant 0 : i32
        %dma_wait3A_110 = tpu.memref_slice %arg7[%dma_wait3A_108, %dma_wait3A_109] : memref<10240x64xf32, #tpu.memory_space<vmem_shared>> -> memref<10240x64xf32, #tpu.memory_space<vmem_shared>>
        tpu.wait_indirect_dma semaphore(%run_scoped3A : memref<!tpu.dma_semaphore, #tpu.memory_space<semaphore_mem>>) src(%arg11 : memref<128x64xf32, #tpu.memory_space<vmem>>) dst(%dma_wait3A_110 : memref<10240x64xf32, #tpu.memory_space<vmem_shared>>)
        tpu.yield
      }) : () -> ()
      %lt3A_64 = arith.constant 19 : i32
      %lt3A_65 = arith.cmpi slt, %scan3A_42, %lt3A_64 : i32
      %convert_element_type3A_66 = arith.extui %lt3A_65 : i1 to i32
      %cond3A_67 = arith.constant 0 : i32
      %cond3A_68 = arith.cmpi ne, %convert_element_type3A_66, %cond3A_67 : i32
      scf.if %cond3A_68 {
        %add3A_99 = arith.constant 4 : i32
        %add3A_100 = arith.addi %add3A_57, %add3A_99 : i32
        %dma_start3A_101 = arith.constant 0 : i32
        %dma_start3A_102 = tpu.memref_slice %arg8[%add3A_100, %dma_start3A_101] : memref<80x128xi32, #tpu.memory_space<vmem>> -> memref<1x128xi32, #tpu.memory_space<vmem>>
        %dma_start3A_103 = tpu.memref_squeeze %dma_start3A_102 : memref<1x128xi32, #tpu.memory_space<vmem>> -> memref<128xi32, #tpu.memory_space<vmem>>
        %dma_start3A_104 = arith.constant 0 : i32
        %dma_start3A_105 = arith.constant 0 : i32
        %dma_start3A_106 = tpu.memref_slice %arg2[%dma_start3A_104, %dma_start3A_105] : memref<10240x64xf32, #tpu.memory_space<hbm>> -> memref<10240x64xf32, #tpu.memory_space<hbm>>
        tpu.enqueue_indirect_dma source(%dma_start3A_106 : memref<10240x64xf32, #tpu.memory_space<hbm>>) target(%arg11 : memref<128x64xf32, #tpu.memory_space<vmem>>) offsets(%dma_start3A_103 : memref<128xi32, #tpu.memory_space<vmem>>) semaphore(%arg15 : memref<!tpu.dma_semaphore, #tpu.memory_space<semaphore_mem>>)
      } else {
      }
      %mul3A_69 = arith.constant 4 : i32
      %mul3A_70 = arith.muli %scan3A_42, %mul3A_69 : i32
      %add3A_71 = arith.constant 2 : i32
      %add3A_72 = arith.addi %mul3A_70, %add3A_71 : i32
      %dma_wait3A_73 = arith.constant 0 : i32
      %dma_wait3A_74 = tpu.memref_slice %arg8[%add3A_72, %dma_wait3A_73] : memref<80x128xi32, #tpu.memory_space<vmem>> -> memref<1x128xi32, #tpu.memory_space<vmem>>
      %dma_wait3A_75 = tpu.memref_squeeze %dma_wait3A_74 : memref<1x128xi32, #tpu.memory_space<vmem>> -> memref<128xi32, #tpu.memory_space<vmem>>
      %dma_wait3A_76 = arith.constant 0 : i32
      %dma_wait3A_77 = arith.constant 0 : i32
      %dma_wait3A_78 = tpu.memref_slice %arg2[%dma_wait3A_76, %dma_wait3A_77] : memref<10240x64xf32, #tpu.memory_space<hbm>> -> memref<10240x64xf32, #tpu.memory_space<hbm>>
      tpu.wait_indirect_dma semaphore(%arg16 : memref<!tpu.dma_semaphore, #tpu.memory_space<semaphore_mem>>) src(%dma_wait3A_78 : memref<10240x64xf32, #tpu.memory_space<hbm>>) dst(%arg12 : memref<128x64xf32, #tpu.memory_space<vmem>>)
      "tpu.region"() ({
        %run_scoped3A = tpu.sem_alloc : memref<!tpu.dma_semaphore, #tpu.memory_space<semaphore_mem>>
        %dma_start3A_99 = arith.constant 0 : i32
        %dma_start3A_100 = tpu.memref_slice %arg9[%add3A_72, %dma_start3A_99] : memref<80x128xi32, #tpu.memory_space<vmem>> -> memref<1x128xi32, #tpu.memory_space<vmem>>
        %dma_start3A_101 = tpu.memref_squeeze %dma_start3A_100 : memref<1x128xi32, #tpu.memory_space<vmem>> -> memref<128xi32, #tpu.memory_space<vmem>>
        %dma_start3A_102 = arith.constant 0 : i32
        %dma_start3A_103 = arith.constant 0 : i32
        %dma_start3A_104 = tpu.memref_slice %arg7[%dma_start3A_102, %dma_start3A_103] : memref<10240x64xf32, #tpu.memory_space<vmem_shared>> -> memref<10240x64xf32, #tpu.memory_space<vmem_shared>>
        tpu.enqueue_indirect_dma source(%arg12 : memref<128x64xf32, #tpu.memory_space<vmem>>) target(%dma_start3A_104 : memref<10240x64xf32, #tpu.memory_space<vmem_shared>>) offsets(%dma_start3A_101 : memref<128xi32, #tpu.memory_space<vmem>>) semaphore(%run_scoped3A : memref<!tpu.dma_semaphore, #tpu.memory_space<semaphore_mem>>) {add = true}
        %dma_wait3A_105 = arith.constant 0 : i32
        %dma_wait3A_106 = tpu.memref_slice %arg9[%add3A_72, %dma_wait3A_105] : memref<80x128xi32, #tpu.memory_space<vmem>> -> memref<1x128xi32, #tpu.memory_space<vmem>>
        %dma_wait3A_107 = tpu.memref_squeeze %dma_wait3A_106 : memref<1x128xi32, #tpu.memory_space<vmem>> -> memref<128xi32, #tpu.memory_space<vmem>>
        %dma_wait3A_108 = arith.constant 0 : i32
        %dma_wait3A_109 = arith.constant 0 : i32
        %dma_wait3A_110 = tpu.memref_slice %arg7[%dma_wait3A_108, %dma_wait3A_109] : memref<10240x64xf32, #tpu.memory_space<vmem_shared>> -> memref<10240x64xf32, #tpu.memory_space<vmem_shared>>
        tpu.wait_indirect_dma semaphore(%run_scoped3A : memref<!tpu.dma_semaphore, #tpu.memory_space<semaphore_mem>>) src(%arg12 : memref<128x64xf32, #tpu.memory_space<vmem>>) dst(%dma_wait3A_110 : memref<10240x64xf32, #tpu.memory_space<vmem_shared>>)
        tpu.yield
      }) : () -> ()
      %lt3A_79 = arith.constant 19 : i32
      %lt3A_80 = arith.cmpi slt, %scan3A_42, %lt3A_79 : i32
      %convert_element_type3A_81 = arith.extui %lt3A_80 : i1 to i32
      %cond3A_82 = arith.constant 0 : i32
      %cond3A_83 = arith.cmpi ne, %convert_element_type3A_81, %cond3A_82 : i32
      scf.if %cond3A_83 {
        %add3A_99 = arith.constant 4 : i32
        %add3A_100 = arith.addi %add3A_72, %add3A_99 : i32
        %dma_start3A_101 = arith.constant 0 : i32
        %dma_start3A_102 = tpu.memref_slice %arg8[%add3A_100, %dma_start3A_101] : memref<80x128xi32, #tpu.memory_space<vmem>> -> memref<1x128xi32, #tpu.memory_space<vmem>>
        %dma_start3A_103 = tpu.memref_squeeze %dma_start3A_102 : memref<1x128xi32, #tpu.memory_space<vmem>> -> memref<128xi32, #tpu.memory_space<vmem>>
        %dma_start3A_104 = arith.constant 0 : i32
        %dma_start3A_105 = arith.constant 0 : i32
        %dma_start3A_106 = tpu.memref_slice %arg2[%dma_start3A_104, %dma_start3A_105] : memref<10240x64xf32, #tpu.memory_space<hbm>> -> memref<10240x64xf32, #tpu.memory_space<hbm>>
        tpu.enqueue_indirect_dma source(%dma_start3A_106 : memref<10240x64xf32, #tpu.memory_space<hbm>>) target(%arg12 : memref<128x64xf32, #tpu.memory_space<vmem>>) offsets(%dma_start3A_103 : memref<128xi32, #tpu.memory_space<vmem>>) semaphore(%arg16 : memref<!tpu.dma_semaphore, #tpu.memory_space<semaphore_mem>>)
      } else {
      }
      %mul3A_84 = arith.constant 4 : i32
      %mul3A_85 = arith.muli %scan3A_42, %mul3A_84 : i32
      %add3A_86 = arith.constant 3 : i32
      %add3A_87 = arith.addi %mul3A_85, %add3A_86 : i32
      %dma_wait3A_88 = arith.constant 0 : i32
      %dma_wait3A_89 = tpu.memref_slice %arg8[%add3A_87, %dma_wait3A_88] : memref<80x128xi32, #tpu.memory_space<vmem>> -> memref<1x128xi32, #tpu.memory_space<vmem>>
      %dma_wait3A_90 = tpu.memref_squeeze %dma_wait3A_89 : memref<1x128xi32, #tpu.memory_space<vmem>> -> memref<128xi32, #tpu.memory_space<vmem>>
      %dma_wait3A_91 = arith.constant 0 : i32
      %dma_wait3A_92 = arith.constant 0 : i32
      %dma_wait3A_93 = tpu.memref_slice %arg2[%dma_wait3A_91, %dma_wait3A_92] : memref<10240x64xf32, #tpu.memory_space<hbm>> -> memref<10240x64xf32, #tpu.memory_space<hbm>>
      tpu.wait_indirect_dma semaphore(%arg17 : memref<!tpu.dma_semaphore, #tpu.memory_space<semaphore_mem>>) src(%dma_wait3A_93 : memref<10240x64xf32, #tpu.memory_space<hbm>>) dst(%arg13 : memref<128x64xf32, #tpu.memory_space<vmem>>)
      "tpu.region"() ({
        %run_scoped3A = tpu.sem_alloc : memref<!tpu.dma_semaphore, #tpu.memory_space<semaphore_mem>>
        %dma_start3A_99 = arith.constant 0 : i32
        %dma_start3A_100 = tpu.memref_slice %arg9[%add3A_87, %dma_start3A_99] : memref<80x128xi32, #tpu.memory_space<vmem>> -> memref<1x128xi32, #tpu.memory_space<vmem>>
        %dma_start3A_101 = tpu.memref_squeeze %dma_start3A_100 : memref<1x128xi32, #tpu.memory_space<vmem>> -> memref<128xi32, #tpu.memory_space<vmem>>
        %dma_start3A_102 = arith.constant 0 : i32
        %dma_start3A_103 = arith.constant 0 : i32
        %dma_start3A_104 = tpu.memref_slice %arg7[%dma_start3A_102, %dma_start3A_103] : memref<10240x64xf32, #tpu.memory_space<vmem_shared>> -> memref<10240x64xf32, #tpu.memory_space<vmem_shared>>
        tpu.enqueue_indirect_dma source(%arg13 : memref<128x64xf32, #tpu.memory_space<vmem>>) target(%dma_start3A_104 : memref<10240x64xf32, #tpu.memory_space<vmem_shared>>) offsets(%dma_start3A_101 : memref<128xi32, #tpu.memory_space<vmem>>) semaphore(%run_scoped3A : memref<!tpu.dma_semaphore, #tpu.memory_space<semaphore_mem>>) {add = true}
        %dma_wait3A_105 = arith.constant 0 : i32
        %dma_wait3A_106 = tpu.memref_slice %arg9[%add3A_87, %dma_wait3A_105] : memref<80x128xi32, #tpu.memory_space<vmem>> -> memref<1x128xi32, #tpu.memory_space<vmem>>
        %dma_wait3A_107 = tpu.memref_squeeze %dma_wait3A_106 : memref<1x128xi32, #tpu.memory_space<vmem>> -> memref<128xi32, #tpu.memory_space<vmem>>
        %dma_wait3A_108 = arith.constant 0 : i32
        %dma_wait3A_109 = arith.constant 0 : i32
        %dma_wait3A_110 = tpu.memref_slice %arg7[%dma_wait3A_108, %dma_wait3A_109] : memref<10240x64xf32, #tpu.memory_space<vmem_shared>> -> memref<10240x64xf32, #tpu.memory_space<vmem_shared>>
        tpu.wait_indirect_dma semaphore(%run_scoped3A : memref<!tpu.dma_semaphore, #tpu.memory_space<semaphore_mem>>) src(%arg13 : memref<128x64xf32, #tpu.memory_space<vmem>>) dst(%dma_wait3A_110 : memref<10240x64xf32, #tpu.memory_space<vmem_shared>>)
        tpu.yield
      }) : () -> ()
      %lt3A_94 = arith.constant 19 : i32
      %lt3A_95 = arith.cmpi slt, %scan3A_42, %lt3A_94 : i32
      %convert_element_type3A_96 = arith.extui %lt3A_95 : i1 to i32
      %cond3A_97 = arith.constant 0 : i32
      %cond3A_98 = arith.cmpi ne, %convert_element_type3A_96, %cond3A_97 : i32
      scf.if %cond3A_98 {
        %add3A_99 = arith.constant 4 : i32
        %add3A_100 = arith.addi %add3A_87, %add3A_99 : i32
        %dma_start3A_101 = arith.constant 0 : i32
        %dma_start3A_102 = tpu.memref_slice %arg8[%add3A_100, %dma_start3A_101] : memref<80x128xi32, #tpu.memory_space<vmem>> -> memref<1x128xi32, #tpu.memory_space<vmem>>
        %dma_start3A_103 = tpu.memref_squeeze %dma_start3A_102 : memref<1x128xi32, #tpu.memory_space<vmem>> -> memref<128xi32, #tpu.memory_space<vmem>>
        %dma_start3A_104 = arith.constant 0 : i32
        %dma_start3A_105 = arith.constant 0 : i32
        %dma_start3A_106 = tpu.memref_slice %arg2[%dma_start3A_104, %dma_start3A_105] : memref<10240x64xf32, #tpu.memory_space<hbm>> -> memref<10240x64xf32, #tpu.memory_space<hbm>>
        tpu.enqueue_indirect_dma source(%dma_start3A_106 : memref<10240x64xf32, #tpu.memory_space<hbm>>) target(%arg13 : memref<128x64xf32, #tpu.memory_space<vmem>>) offsets(%dma_start3A_103 : memref<128xi32, #tpu.memory_space<vmem>>) semaphore(%arg17 : memref<!tpu.dma_semaphore, #tpu.memory_space<semaphore_mem>>)
      } else {
      }
    }
    %scan3A_36 = arith.constant 20 : i32
    %barrier3A_37 = arith.constant 0 : index
    tpu.barrier barrier_id(%barrier3A_37)
    %mul3A_38 = arith.constant 640 : i32
    %mul3A_39 = arith.muli %arg1, %mul3A_38 : i32
    %mul3A_40 = arith.constant 640 : i32
    %mul3A_41 = arith.muli %arg1, %mul3A_40 : i32
    "tpu.region"() ({
      %run_scoped3A = tpu.sem_alloc : memref<!tpu.dma_semaphore, #tpu.memory_space<semaphore_mem>>
      %dma_start3A_42 = arith.constant 0 : i32
      %dma_start3A_43 = tpu.memref_slice %arg6[%arg0, %mul3A_41, %dma_start3A_42] : memref<2x10240x64xf32, #tpu.memory_space<hbm>> -> memref<1x640x64xf32, #tpu.memory_space<hbm>>
      %dma_start3A_44 = tpu.memref_squeeze %dma_start3A_43 : memref<1x640x64xf32, #tpu.memory_space<hbm>> -> memref<640x64xf32, #tpu.memory_space<hbm>>
      %dma_start3A_45 = arith.constant 0 : i32
      %dma_start3A_46 = tpu.memref_slice %arg7[%mul3A_39, %dma_start3A_45] : memref<10240x64xf32, #tpu.memory_space<vmem_shared>> -> memref<640x64xf32, #tpu.memory_space<vmem_shared>>
      tpu.enqueue_dma source(%dma_start3A_46 : memref<640x64xf32, #tpu.memory_space<vmem_shared>>) target(%dma_start3A_44 : memref<640x64xf32, #tpu.memory_space<hbm>>) target_semaphore(%run_scoped3A : memref<!tpu.dma_semaphore, #tpu.memory_space<semaphore_mem>>)
      %dma_wait3A = arith.constant 0 : i32
      %dma_wait3A_47 = tpu.memref_slice %arg6[%arg0, %mul3A_41, %dma_wait3A] : memref<2x10240x64xf32, #tpu.memory_space<hbm>> -> memref<1x640x64xf32, #tpu.memory_space<hbm>>
      %dma_wait3A_48 = tpu.memref_squeeze %dma_wait3A_47 : memref<1x640x64xf32, #tpu.memory_space<hbm>> -> memref<640x64xf32, #tpu.memory_space<hbm>>
      %dma_wait3A_49 = arith.constant 0 : i32
      %dma_wait3A_50 = tpu.memref_slice %arg7[%mul3A_39, %dma_wait3A_49] : memref<10240x64xf32, #tpu.memory_space<vmem_shared>> -> memref<640x64xf32, #tpu.memory_space<vmem_shared>>
      tpu.wait_dma2 semaphore(%run_scoped3A : memref<!tpu.dma_semaphore, #tpu.memory_space<semaphore_mem>>) src(%dma_wait3A_50 : memref<640x64xf32, #tpu.memory_space<vmem_shared>>) dst(%dma_wait3A_48 : memref<640x64xf32, #tpu.memory_space<hbm>>)
      tpu.yield
    }) : () -> ()
    return
  }
}

#map = affine_map<(d0, d1) -> (0, 0)>
#map1 = affine_map<(d0, d1) -> (0, 0, 0)>
module attributes {stable_mosaic.version = 14 : i64} {
  func.func @sc_agg(%arg0: i32, %arg1: i32, %arg2: memref<10240x16xf32, #tpu.memory_space<hbm>>, %arg3: memref<32x80x128xi32, #tpu.memory_space<hbm>>, %arg4: memref<32x80x128xi32, #tpu.memory_space<hbm>>, %arg5: memref<10240x16xf32, #tpu.memory_space<hbm>>, %arg6: memref<2x10240x16xf32, #tpu.memory_space<hbm>>, %arg7: memref<10240x16xf32, #tpu.memory_space<vmem_shared>>, %arg8: memref<80x128xi32, #tpu.memory_space<vmem>>, %arg9: memref<80x128xi32, #tpu.memory_space<vmem>>, %arg10: memref<128x16xf32, #tpu.memory_space<vmem>>, %arg11: memref<128x16xf32, #tpu.memory_space<vmem>>, %arg12: memref<128x16xf32, #tpu.memory_space<vmem>>, %arg13: memref<128x16xf32, #tpu.memory_space<vmem>>, %arg14: memref<!tpu.dma_semaphore, #tpu.memory_space<semaphore_mem>>, %arg15: memref<!tpu.dma_semaphore, #tpu.memory_space<semaphore_mem>>, %arg16: memref<!tpu.dma_semaphore, #tpu.memory_space<semaphore_mem>>, %arg17: memref<!tpu.dma_semaphore, #tpu.memory_space<semaphore_mem>>) attributes {dimension_semantics = [#tpu.dimension_semantics<core_parallel>, #tpu.dimension_semantics<subcore_parallel>], iteration_bounds = array<i64: 2, 16>, scalar_prefetch = 0 : i64, scratch_operands = 11 : i64, tpu.core_type = #tpu.core_type<sc_vector_subcore>, window_params = [{transform_indices = #map}, {transform_indices = #map1}, {transform_indices = #map1}, {transform_indices = #map}, {transform_indices = #map1}]} {
    %mul3A = arith.constant 2 : i32
    %mul3A_0 = arith.muli %arg1, %mul3A : i32
    %add3A = arith.addi %mul3A_0, %arg0 : i32
    %mul3A_1 = arith.constant 640 : i32
    %mul3A_2 = arith.muli %arg1, %mul3A_1 : i32
    %mul3A_3 = arith.constant 640 : i32
    %mul3A_4 = arith.muli %arg1, %mul3A_3 : i32
    "tpu.region"() ({
      %run_scoped3A = tpu.sem_alloc : memref<!tpu.dma_semaphore, #tpu.memory_space<semaphore_mem>>
      %dma_start3A_42 = arith.constant 0 : i32
      %dma_start3A_43 = tpu.memref_slice %arg7[%mul3A_4, %dma_start3A_42] : memref<10240x16xf32, #tpu.memory_space<vmem_shared>> -> memref<640x16xf32, #tpu.memory_space<vmem_shared>>
      %dma_start3A_44 = arith.constant 0 : i32
      %dma_start3A_45 = tpu.memref_slice %arg5[%mul3A_2, %dma_start3A_44] : memref<10240x16xf32, #tpu.memory_space<hbm>> -> memref<640x16xf32, #tpu.memory_space<hbm>>
      tpu.enqueue_dma source(%dma_start3A_45 : memref<640x16xf32, #tpu.memory_space<hbm>>) target(%dma_start3A_43 : memref<640x16xf32, #tpu.memory_space<vmem_shared>>) target_semaphore(%run_scoped3A : memref<!tpu.dma_semaphore, #tpu.memory_space<semaphore_mem>>)
      %dma_wait3A = arith.constant 0 : i32
      %dma_wait3A_46 = tpu.memref_slice %arg7[%mul3A_4, %dma_wait3A] : memref<10240x16xf32, #tpu.memory_space<vmem_shared>> -> memref<640x16xf32, #tpu.memory_space<vmem_shared>>
      %dma_wait3A_47 = arith.constant 0 : i32
      %dma_wait3A_48 = tpu.memref_slice %arg5[%mul3A_2, %dma_wait3A_47] : memref<10240x16xf32, #tpu.memory_space<hbm>> -> memref<640x16xf32, #tpu.memory_space<hbm>>
      tpu.wait_dma2 semaphore(%run_scoped3A : memref<!tpu.dma_semaphore, #tpu.memory_space<semaphore_mem>>) src(%dma_wait3A_48 : memref<640x16xf32, #tpu.memory_space<hbm>>) dst(%dma_wait3A_46 : memref<640x16xf32, #tpu.memory_space<vmem_shared>>)
      tpu.yield
    }) : () -> ()
    "tpu.region"() ({
      %run_scoped3A = tpu.sem_alloc : memref<!tpu.dma_semaphore, #tpu.memory_space<semaphore_mem>>
      %dma_start3A_42 = arith.constant 0 : i32
      %dma_start3A_43 = arith.constant 0 : i32
      %dma_start3A_44 = tpu.memref_slice %arg3[%add3A, %dma_start3A_42, %dma_start3A_43] : memref<32x80x128xi32, #tpu.memory_space<hbm>> -> memref<1x80x128xi32, #tpu.memory_space<hbm>>
      %dma_start3A_45 = tpu.memref_squeeze %dma_start3A_44 : memref<1x80x128xi32, #tpu.memory_space<hbm>> -> memref<80x128xi32, #tpu.memory_space<hbm>>
      %dma_start3A_46 = arith.constant 0 : i32
      %dma_start3A_47 = arith.constant 0 : i32
      %dma_start3A_48 = tpu.memref_slice %arg3[%add3A, %dma_start3A_46, %dma_start3A_47] : memref<32x80x128xi32, #tpu.memory_space<hbm>> -> memref<1x80x128xi32, #tpu.memory_space<hbm>>
      %dma_start3A_49 = tpu.memref_squeeze %dma_start3A_48 : memref<1x80x128xi32, #tpu.memory_space<hbm>> -> memref<80x128xi32, #tpu.memory_space<hbm>>
      tpu.enqueue_dma source(%dma_start3A_49 : memref<80x128xi32, #tpu.memory_space<hbm>>) target(%arg8 : memref<80x128xi32, #tpu.memory_space<vmem>>) target_semaphore(%run_scoped3A : memref<!tpu.dma_semaphore, #tpu.memory_space<semaphore_mem>>)
      %dma_wait3A = arith.constant 0 : i32
      %dma_wait3A_50 = arith.constant 0 : i32
      %dma_wait3A_51 = tpu.memref_slice %arg3[%add3A, %dma_wait3A, %dma_wait3A_50] : memref<32x80x128xi32, #tpu.memory_space<hbm>> -> memref<1x80x128xi32, #tpu.memory_space<hbm>>
      %dma_wait3A_52 = tpu.memref_squeeze %dma_wait3A_51 : memref<1x80x128xi32, #tpu.memory_space<hbm>> -> memref<80x128xi32, #tpu.memory_space<hbm>>
      %dma_wait3A_53 = arith.constant 0 : i32
      %dma_wait3A_54 = arith.constant 0 : i32
      %dma_wait3A_55 = tpu.memref_slice %arg3[%add3A, %dma_wait3A_53, %dma_wait3A_54] : memref<32x80x128xi32, #tpu.memory_space<hbm>> -> memref<1x80x128xi32, #tpu.memory_space<hbm>>
      %dma_wait3A_56 = tpu.memref_squeeze %dma_wait3A_55 : memref<1x80x128xi32, #tpu.memory_space<hbm>> -> memref<80x128xi32, #tpu.memory_space<hbm>>
      tpu.wait_dma2 semaphore(%run_scoped3A : memref<!tpu.dma_semaphore, #tpu.memory_space<semaphore_mem>>) src(%dma_wait3A_56 : memref<80x128xi32, #tpu.memory_space<hbm>>) dst(%arg8 : memref<80x128xi32, #tpu.memory_space<vmem>>)
      tpu.yield
    }) : () -> ()
    "tpu.region"() ({
      %run_scoped3A = tpu.sem_alloc : memref<!tpu.dma_semaphore, #tpu.memory_space<semaphore_mem>>
      %dma_start3A_42 = arith.constant 0 : i32
      %dma_start3A_43 = arith.constant 0 : i32
      %dma_start3A_44 = tpu.memref_slice %arg4[%add3A, %dma_start3A_42, %dma_start3A_43] : memref<32x80x128xi32, #tpu.memory_space<hbm>> -> memref<1x80x128xi32, #tpu.memory_space<hbm>>
      %dma_start3A_45 = tpu.memref_squeeze %dma_start3A_44 : memref<1x80x128xi32, #tpu.memory_space<hbm>> -> memref<80x128xi32, #tpu.memory_space<hbm>>
      %dma_start3A_46 = arith.constant 0 : i32
      %dma_start3A_47 = arith.constant 0 : i32
      %dma_start3A_48 = tpu.memref_slice %arg4[%add3A, %dma_start3A_46, %dma_start3A_47] : memref<32x80x128xi32, #tpu.memory_space<hbm>> -> memref<1x80x128xi32, #tpu.memory_space<hbm>>
      %dma_start3A_49 = tpu.memref_squeeze %dma_start3A_48 : memref<1x80x128xi32, #tpu.memory_space<hbm>> -> memref<80x128xi32, #tpu.memory_space<hbm>>
      tpu.enqueue_dma source(%dma_start3A_49 : memref<80x128xi32, #tpu.memory_space<hbm>>) target(%arg9 : memref<80x128xi32, #tpu.memory_space<vmem>>) target_semaphore(%run_scoped3A : memref<!tpu.dma_semaphore, #tpu.memory_space<semaphore_mem>>)
      %dma_wait3A = arith.constant 0 : i32
      %dma_wait3A_50 = arith.constant 0 : i32
      %dma_wait3A_51 = tpu.memref_slice %arg4[%add3A, %dma_wait3A, %dma_wait3A_50] : memref<32x80x128xi32, #tpu.memory_space<hbm>> -> memref<1x80x128xi32, #tpu.memory_space<hbm>>
      %dma_wait3A_52 = tpu.memref_squeeze %dma_wait3A_51 : memref<1x80x128xi32, #tpu.memory_space<hbm>> -> memref<80x128xi32, #tpu.memory_space<hbm>>
      %dma_wait3A_53 = arith.constant 0 : i32
      %dma_wait3A_54 = arith.constant 0 : i32
      %dma_wait3A_55 = tpu.memref_slice %arg4[%add3A, %dma_wait3A_53, %dma_wait3A_54] : memref<32x80x128xi32, #tpu.memory_space<hbm>> -> memref<1x80x128xi32, #tpu.memory_space<hbm>>
      %dma_wait3A_56 = tpu.memref_squeeze %dma_wait3A_55 : memref<1x80x128xi32, #tpu.memory_space<hbm>> -> memref<80x128xi32, #tpu.memory_space<hbm>>
      tpu.wait_dma2 semaphore(%run_scoped3A : memref<!tpu.dma_semaphore, #tpu.memory_space<semaphore_mem>>) src(%dma_wait3A_56 : memref<80x128xi32, #tpu.memory_space<hbm>>) dst(%arg9 : memref<80x128xi32, #tpu.memory_space<vmem>>)
      tpu.yield
    }) : () -> ()
    %barrier3A = arith.constant 0 : index
    tpu.barrier barrier_id(%barrier3A)
    %dma_start3A = arith.constant 0 : i32
    %dma_start3A_5 = arith.constant 0 : i32
    %dma_start3A_6 = tpu.memref_slice %arg8[%dma_start3A, %dma_start3A_5] : memref<80x128xi32, #tpu.memory_space<vmem>> -> memref<1x128xi32, #tpu.memory_space<vmem>>
    %dma_start3A_7 = tpu.memref_squeeze %dma_start3A_6 : memref<1x128xi32, #tpu.memory_space<vmem>> -> memref<128xi32, #tpu.memory_space<vmem>>
    %dma_start3A_8 = arith.constant 0 : i32
    %dma_start3A_9 = arith.constant 0 : i32
    %dma_start3A_10 = tpu.memref_slice %arg2[%dma_start3A_8, %dma_start3A_9] : memref<10240x16xf32, #tpu.memory_space<hbm>> -> memref<10240x16xf32, #tpu.memory_space<hbm>>
    tpu.enqueue_indirect_dma source(%dma_start3A_10 : memref<10240x16xf32, #tpu.memory_space<hbm>>) target(%arg10 : memref<128x16xf32, #tpu.memory_space<vmem>>) offsets(%dma_start3A_7 : memref<128xi32, #tpu.memory_space<vmem>>) semaphore(%arg14 : memref<!tpu.dma_semaphore, #tpu.memory_space<semaphore_mem>>)
    %dma_start3A_11 = arith.constant 1 : i32
    %dma_start3A_12 = arith.constant 0 : i32
    %dma_start3A_13 = tpu.memref_slice %arg8[%dma_start3A_11, %dma_start3A_12] : memref<80x128xi32, #tpu.memory_space<vmem>> -> memref<1x128xi32, #tpu.memory_space<vmem>>
    %dma_start3A_14 = tpu.memref_squeeze %dma_start3A_13 : memref<1x128xi32, #tpu.memory_space<vmem>> -> memref<128xi32, #tpu.memory_space<vmem>>
    %dma_start3A_15 = arith.constant 0 : i32
    %dma_start3A_16 = arith.constant 0 : i32
    %dma_start3A_17 = tpu.memref_slice %arg2[%dma_start3A_15, %dma_start3A_16] : memref<10240x16xf32, #tpu.memory_space<hbm>> -> memref<10240x16xf32, #tpu.memory_space<hbm>>
    tpu.enqueue_indirect_dma source(%dma_start3A_17 : memref<10240x16xf32, #tpu.memory_space<hbm>>) target(%arg11 : memref<128x16xf32, #tpu.memory_space<vmem>>) offsets(%dma_start3A_14 : memref<128xi32, #tpu.memory_space<vmem>>) semaphore(%arg15 : memref<!tpu.dma_semaphore, #tpu.memory_space<semaphore_mem>>)
    %dma_start3A_18 = arith.constant 2 : i32
    %dma_start3A_19 = arith.constant 0 : i32
    %dma_start3A_20 = tpu.memref_slice %arg8[%dma_start3A_18, %dma_start3A_19] : memref<80x128xi32, #tpu.memory_space<vmem>> -> memref<1x128xi32, #tpu.memory_space<vmem>>
    %dma_start3A_21 = tpu.memref_squeeze %dma_start3A_20 : memref<1x128xi32, #tpu.memory_space<vmem>> -> memref<128xi32, #tpu.memory_space<vmem>>
    %dma_start3A_22 = arith.constant 0 : i32
    %dma_start3A_23 = arith.constant 0 : i32
    %dma_start3A_24 = tpu.memref_slice %arg2[%dma_start3A_22, %dma_start3A_23] : memref<10240x16xf32, #tpu.memory_space<hbm>> -> memref<10240x16xf32, #tpu.memory_space<hbm>>
    tpu.enqueue_indirect_dma source(%dma_start3A_24 : memref<10240x16xf32, #tpu.memory_space<hbm>>) target(%arg12 : memref<128x16xf32, #tpu.memory_space<vmem>>) offsets(%dma_start3A_21 : memref<128xi32, #tpu.memory_space<vmem>>) semaphore(%arg16 : memref<!tpu.dma_semaphore, #tpu.memory_space<semaphore_mem>>)
    %dma_start3A_25 = arith.constant 3 : i32
    %dma_start3A_26 = arith.constant 0 : i32
    %dma_start3A_27 = tpu.memref_slice %arg8[%dma_start3A_25, %dma_start3A_26] : memref<80x128xi32, #tpu.memory_space<vmem>> -> memref<1x128xi32, #tpu.memory_space<vmem>>
    %dma_start3A_28 = tpu.memref_squeeze %dma_start3A_27 : memref<1x128xi32, #tpu.memory_space<vmem>> -> memref<128xi32, #tpu.memory_space<vmem>>
    %dma_start3A_29 = arith.constant 0 : i32
    %dma_start3A_30 = arith.constant 0 : i32
    %dma_start3A_31 = tpu.memref_slice %arg2[%dma_start3A_29, %dma_start3A_30] : memref<10240x16xf32, #tpu.memory_space<hbm>> -> memref<10240x16xf32, #tpu.memory_space<hbm>>
    tpu.enqueue_indirect_dma source(%dma_start3A_31 : memref<10240x16xf32, #tpu.memory_space<hbm>>) target(%arg13 : memref<128x16xf32, #tpu.memory_space<vmem>>) offsets(%dma_start3A_28 : memref<128xi32, #tpu.memory_space<vmem>>) semaphore(%arg17 : memref<!tpu.dma_semaphore, #tpu.memory_space<semaphore_mem>>)
    %scan3A = arith.constant 0 : i32
    %scan3A_32 = arith.constant 0 : i32
    %scan3A_33 = arith.constant 20 : i32
    %scan3A_34 = arith.addi %scan3A_32, %scan3A_33 : i32
    %scan3A_35 = arith.constant 1 : i32
    scf.for %scan3A_42 = %scan3A_32 to %scan3A_34 step %scan3A_35  : i32 {
      %mul3A_43 = arith.constant 4 : i32
      %mul3A_44 = arith.muli %scan3A_42, %mul3A_43 : i32
      %add3A_45 = arith.constant 0 : i32
      %add3A_46 = arith.addi %mul3A_44, %add3A_45 : i32
      %dma_wait3A = arith.constant 0 : i32
      %dma_wait3A_47 = tpu.memref_slice %arg8[%add3A_46, %dma_wait3A] : memref<80x128xi32, #tpu.memory_space<vmem>> -> memref<1x128xi32, #tpu.memory_space<vmem>>
      %dma_wait3A_48 = tpu.memref_squeeze %dma_wait3A_47 : memref<1x128xi32, #tpu.memory_space<vmem>> -> memref<128xi32, #tpu.memory_space<vmem>>
      %dma_wait3A_49 = arith.constant 0 : i32
      %dma_wait3A_50 = arith.constant 0 : i32
      %dma_wait3A_51 = tpu.memref_slice %arg2[%dma_wait3A_49, %dma_wait3A_50] : memref<10240x16xf32, #tpu.memory_space<hbm>> -> memref<10240x16xf32, #tpu.memory_space<hbm>>
      tpu.wait_indirect_dma semaphore(%arg14 : memref<!tpu.dma_semaphore, #tpu.memory_space<semaphore_mem>>) src(%dma_wait3A_51 : memref<10240x16xf32, #tpu.memory_space<hbm>>) dst(%arg10 : memref<128x16xf32, #tpu.memory_space<vmem>>)
      "tpu.region"() ({
        %run_scoped3A = tpu.sem_alloc : memref<!tpu.dma_semaphore, #tpu.memory_space<semaphore_mem>>
        %dma_start3A_99 = arith.constant 0 : i32
        %dma_start3A_100 = tpu.memref_slice %arg9[%add3A_46, %dma_start3A_99] : memref<80x128xi32, #tpu.memory_space<vmem>> -> memref<1x128xi32, #tpu.memory_space<vmem>>
        %dma_start3A_101 = tpu.memref_squeeze %dma_start3A_100 : memref<1x128xi32, #tpu.memory_space<vmem>> -> memref<128xi32, #tpu.memory_space<vmem>>
        %dma_start3A_102 = arith.constant 0 : i32
        %dma_start3A_103 = arith.constant 0 : i32
        %dma_start3A_104 = tpu.memref_slice %arg7[%dma_start3A_102, %dma_start3A_103] : memref<10240x16xf32, #tpu.memory_space<vmem_shared>> -> memref<10240x16xf32, #tpu.memory_space<vmem_shared>>
        tpu.enqueue_indirect_dma source(%arg10 : memref<128x16xf32, #tpu.memory_space<vmem>>) target(%dma_start3A_104 : memref<10240x16xf32, #tpu.memory_space<vmem_shared>>) offsets(%dma_start3A_101 : memref<128xi32, #tpu.memory_space<vmem>>) semaphore(%run_scoped3A : memref<!tpu.dma_semaphore, #tpu.memory_space<semaphore_mem>>) {add = true}
        %dma_wait3A_105 = arith.constant 0 : i32
        %dma_wait3A_106 = tpu.memref_slice %arg9[%add3A_46, %dma_wait3A_105] : memref<80x128xi32, #tpu.memory_space<vmem>> -> memref<1x128xi32, #tpu.memory_space<vmem>>
        %dma_wait3A_107 = tpu.memref_squeeze %dma_wait3A_106 : memref<1x128xi32, #tpu.memory_space<vmem>> -> memref<128xi32, #tpu.memory_space<vmem>>
        %dma_wait3A_108 = arith.constant 0 : i32
        %dma_wait3A_109 = arith.constant 0 : i32
        %dma_wait3A_110 = tpu.memref_slice %arg7[%dma_wait3A_108, %dma_wait3A_109] : memref<10240x16xf32, #tpu.memory_space<vmem_shared>> -> memref<10240x16xf32, #tpu.memory_space<vmem_shared>>
        tpu.wait_indirect_dma semaphore(%run_scoped3A : memref<!tpu.dma_semaphore, #tpu.memory_space<semaphore_mem>>) src(%arg10 : memref<128x16xf32, #tpu.memory_space<vmem>>) dst(%dma_wait3A_110 : memref<10240x16xf32, #tpu.memory_space<vmem_shared>>)
        tpu.yield
      }) : () -> ()
      %lt3A = arith.constant 19 : i32
      %lt3A_52 = arith.cmpi slt, %scan3A_42, %lt3A : i32
      %convert_element_type3A = arith.extui %lt3A_52 : i1 to i32
      %cond3A = arith.constant 0 : i32
      %cond3A_53 = arith.cmpi ne, %convert_element_type3A, %cond3A : i32
      scf.if %cond3A_53 {
        %add3A_99 = arith.constant 4 : i32
        %add3A_100 = arith.addi %add3A_46, %add3A_99 : i32
        %dma_start3A_101 = arith.constant 0 : i32
        %dma_start3A_102 = tpu.memref_slice %arg8[%add3A_100, %dma_start3A_101] : memref<80x128xi32, #tpu.memory_space<vmem>> -> memref<1x128xi32, #tpu.memory_space<vmem>>
        %dma_start3A_103 = tpu.memref_squeeze %dma_start3A_102 : memref<1x128xi32, #tpu.memory_space<vmem>> -> memref<128xi32, #tpu.memory_space<vmem>>
        %dma_start3A_104 = arith.constant 0 : i32
        %dma_start3A_105 = arith.constant 0 : i32
        %dma_start3A_106 = tpu.memref_slice %arg2[%dma_start3A_104, %dma_start3A_105] : memref<10240x16xf32, #tpu.memory_space<hbm>> -> memref<10240x16xf32, #tpu.memory_space<hbm>>
        tpu.enqueue_indirect_dma source(%dma_start3A_106 : memref<10240x16xf32, #tpu.memory_space<hbm>>) target(%arg10 : memref<128x16xf32, #tpu.memory_space<vmem>>) offsets(%dma_start3A_103 : memref<128xi32, #tpu.memory_space<vmem>>) semaphore(%arg14 : memref<!tpu.dma_semaphore, #tpu.memory_space<semaphore_mem>>)
      } else {
      }
      %mul3A_54 = arith.constant 4 : i32
      %mul3A_55 = arith.muli %scan3A_42, %mul3A_54 : i32
      %add3A_56 = arith.constant 1 : i32
      %add3A_57 = arith.addi %mul3A_55, %add3A_56 : i32
      %dma_wait3A_58 = arith.constant 0 : i32
      %dma_wait3A_59 = tpu.memref_slice %arg8[%add3A_57, %dma_wait3A_58] : memref<80x128xi32, #tpu.memory_space<vmem>> -> memref<1x128xi32, #tpu.memory_space<vmem>>
      %dma_wait3A_60 = tpu.memref_squeeze %dma_wait3A_59 : memref<1x128xi32, #tpu.memory_space<vmem>> -> memref<128xi32, #tpu.memory_space<vmem>>
      %dma_wait3A_61 = arith.constant 0 : i32
      %dma_wait3A_62 = arith.constant 0 : i32
      %dma_wait3A_63 = tpu.memref_slice %arg2[%dma_wait3A_61, %dma_wait3A_62] : memref<10240x16xf32, #tpu.memory_space<hbm>> -> memref<10240x16xf32, #tpu.memory_space<hbm>>
      tpu.wait_indirect_dma semaphore(%arg15 : memref<!tpu.dma_semaphore, #tpu.memory_space<semaphore_mem>>) src(%dma_wait3A_63 : memref<10240x16xf32, #tpu.memory_space<hbm>>) dst(%arg11 : memref<128x16xf32, #tpu.memory_space<vmem>>)
      "tpu.region"() ({
        %run_scoped3A = tpu.sem_alloc : memref<!tpu.dma_semaphore, #tpu.memory_space<semaphore_mem>>
        %dma_start3A_99 = arith.constant 0 : i32
        %dma_start3A_100 = tpu.memref_slice %arg9[%add3A_57, %dma_start3A_99] : memref<80x128xi32, #tpu.memory_space<vmem>> -> memref<1x128xi32, #tpu.memory_space<vmem>>
        %dma_start3A_101 = tpu.memref_squeeze %dma_start3A_100 : memref<1x128xi32, #tpu.memory_space<vmem>> -> memref<128xi32, #tpu.memory_space<vmem>>
        %dma_start3A_102 = arith.constant 0 : i32
        %dma_start3A_103 = arith.constant 0 : i32
        %dma_start3A_104 = tpu.memref_slice %arg7[%dma_start3A_102, %dma_start3A_103] : memref<10240x16xf32, #tpu.memory_space<vmem_shared>> -> memref<10240x16xf32, #tpu.memory_space<vmem_shared>>
        tpu.enqueue_indirect_dma source(%arg11 : memref<128x16xf32, #tpu.memory_space<vmem>>) target(%dma_start3A_104 : memref<10240x16xf32, #tpu.memory_space<vmem_shared>>) offsets(%dma_start3A_101 : memref<128xi32, #tpu.memory_space<vmem>>) semaphore(%run_scoped3A : memref<!tpu.dma_semaphore, #tpu.memory_space<semaphore_mem>>) {add = true}
        %dma_wait3A_105 = arith.constant 0 : i32
        %dma_wait3A_106 = tpu.memref_slice %arg9[%add3A_57, %dma_wait3A_105] : memref<80x128xi32, #tpu.memory_space<vmem>> -> memref<1x128xi32, #tpu.memory_space<vmem>>
        %dma_wait3A_107 = tpu.memref_squeeze %dma_wait3A_106 : memref<1x128xi32, #tpu.memory_space<vmem>> -> memref<128xi32, #tpu.memory_space<vmem>>
        %dma_wait3A_108 = arith.constant 0 : i32
        %dma_wait3A_109 = arith.constant 0 : i32
        %dma_wait3A_110 = tpu.memref_slice %arg7[%dma_wait3A_108, %dma_wait3A_109] : memref<10240x16xf32, #tpu.memory_space<vmem_shared>> -> memref<10240x16xf32, #tpu.memory_space<vmem_shared>>
        tpu.wait_indirect_dma semaphore(%run_scoped3A : memref<!tpu.dma_semaphore, #tpu.memory_space<semaphore_mem>>) src(%arg11 : memref<128x16xf32, #tpu.memory_space<vmem>>) dst(%dma_wait3A_110 : memref<10240x16xf32, #tpu.memory_space<vmem_shared>>)
        tpu.yield
      }) : () -> ()
      %lt3A_64 = arith.constant 19 : i32
      %lt3A_65 = arith.cmpi slt, %scan3A_42, %lt3A_64 : i32
      %convert_element_type3A_66 = arith.extui %lt3A_65 : i1 to i32
      %cond3A_67 = arith.constant 0 : i32
      %cond3A_68 = arith.cmpi ne, %convert_element_type3A_66, %cond3A_67 : i32
      scf.if %cond3A_68 {
        %add3A_99 = arith.constant 4 : i32
        %add3A_100 = arith.addi %add3A_57, %add3A_99 : i32
        %dma_start3A_101 = arith.constant 0 : i32
        %dma_start3A_102 = tpu.memref_slice %arg8[%add3A_100, %dma_start3A_101] : memref<80x128xi32, #tpu.memory_space<vmem>> -> memref<1x128xi32, #tpu.memory_space<vmem>>
        %dma_start3A_103 = tpu.memref_squeeze %dma_start3A_102 : memref<1x128xi32, #tpu.memory_space<vmem>> -> memref<128xi32, #tpu.memory_space<vmem>>
        %dma_start3A_104 = arith.constant 0 : i32
        %dma_start3A_105 = arith.constant 0 : i32
        %dma_start3A_106 = tpu.memref_slice %arg2[%dma_start3A_104, %dma_start3A_105] : memref<10240x16xf32, #tpu.memory_space<hbm>> -> memref<10240x16xf32, #tpu.memory_space<hbm>>
        tpu.enqueue_indirect_dma source(%dma_start3A_106 : memref<10240x16xf32, #tpu.memory_space<hbm>>) target(%arg11 : memref<128x16xf32, #tpu.memory_space<vmem>>) offsets(%dma_start3A_103 : memref<128xi32, #tpu.memory_space<vmem>>) semaphore(%arg15 : memref<!tpu.dma_semaphore, #tpu.memory_space<semaphore_mem>>)
      } else {
      }
      %mul3A_69 = arith.constant 4 : i32
      %mul3A_70 = arith.muli %scan3A_42, %mul3A_69 : i32
      %add3A_71 = arith.constant 2 : i32
      %add3A_72 = arith.addi %mul3A_70, %add3A_71 : i32
      %dma_wait3A_73 = arith.constant 0 : i32
      %dma_wait3A_74 = tpu.memref_slice %arg8[%add3A_72, %dma_wait3A_73] : memref<80x128xi32, #tpu.memory_space<vmem>> -> memref<1x128xi32, #tpu.memory_space<vmem>>
      %dma_wait3A_75 = tpu.memref_squeeze %dma_wait3A_74 : memref<1x128xi32, #tpu.memory_space<vmem>> -> memref<128xi32, #tpu.memory_space<vmem>>
      %dma_wait3A_76 = arith.constant 0 : i32
      %dma_wait3A_77 = arith.constant 0 : i32
      %dma_wait3A_78 = tpu.memref_slice %arg2[%dma_wait3A_76, %dma_wait3A_77] : memref<10240x16xf32, #tpu.memory_space<hbm>> -> memref<10240x16xf32, #tpu.memory_space<hbm>>
      tpu.wait_indirect_dma semaphore(%arg16 : memref<!tpu.dma_semaphore, #tpu.memory_space<semaphore_mem>>) src(%dma_wait3A_78 : memref<10240x16xf32, #tpu.memory_space<hbm>>) dst(%arg12 : memref<128x16xf32, #tpu.memory_space<vmem>>)
      "tpu.region"() ({
        %run_scoped3A = tpu.sem_alloc : memref<!tpu.dma_semaphore, #tpu.memory_space<semaphore_mem>>
        %dma_start3A_99 = arith.constant 0 : i32
        %dma_start3A_100 = tpu.memref_slice %arg9[%add3A_72, %dma_start3A_99] : memref<80x128xi32, #tpu.memory_space<vmem>> -> memref<1x128xi32, #tpu.memory_space<vmem>>
        %dma_start3A_101 = tpu.memref_squeeze %dma_start3A_100 : memref<1x128xi32, #tpu.memory_space<vmem>> -> memref<128xi32, #tpu.memory_space<vmem>>
        %dma_start3A_102 = arith.constant 0 : i32
        %dma_start3A_103 = arith.constant 0 : i32
        %dma_start3A_104 = tpu.memref_slice %arg7[%dma_start3A_102, %dma_start3A_103] : memref<10240x16xf32, #tpu.memory_space<vmem_shared>> -> memref<10240x16xf32, #tpu.memory_space<vmem_shared>>
        tpu.enqueue_indirect_dma source(%arg12 : memref<128x16xf32, #tpu.memory_space<vmem>>) target(%dma_start3A_104 : memref<10240x16xf32, #tpu.memory_space<vmem_shared>>) offsets(%dma_start3A_101 : memref<128xi32, #tpu.memory_space<vmem>>) semaphore(%run_scoped3A : memref<!tpu.dma_semaphore, #tpu.memory_space<semaphore_mem>>) {add = true}
        %dma_wait3A_105 = arith.constant 0 : i32
        %dma_wait3A_106 = tpu.memref_slice %arg9[%add3A_72, %dma_wait3A_105] : memref<80x128xi32, #tpu.memory_space<vmem>> -> memref<1x128xi32, #tpu.memory_space<vmem>>
        %dma_wait3A_107 = tpu.memref_squeeze %dma_wait3A_106 : memref<1x128xi32, #tpu.memory_space<vmem>> -> memref<128xi32, #tpu.memory_space<vmem>>
        %dma_wait3A_108 = arith.constant 0 : i32
        %dma_wait3A_109 = arith.constant 0 : i32
        %dma_wait3A_110 = tpu.memref_slice %arg7[%dma_wait3A_108, %dma_wait3A_109] : memref<10240x16xf32, #tpu.memory_space<vmem_shared>> -> memref<10240x16xf32, #tpu.memory_space<vmem_shared>>
        tpu.wait_indirect_dma semaphore(%run_scoped3A : memref<!tpu.dma_semaphore, #tpu.memory_space<semaphore_mem>>) src(%arg12 : memref<128x16xf32, #tpu.memory_space<vmem>>) dst(%dma_wait3A_110 : memref<10240x16xf32, #tpu.memory_space<vmem_shared>>)
        tpu.yield
      }) : () -> ()
      %lt3A_79 = arith.constant 19 : i32
      %lt3A_80 = arith.cmpi slt, %scan3A_42, %lt3A_79 : i32
      %convert_element_type3A_81 = arith.extui %lt3A_80 : i1 to i32
      %cond3A_82 = arith.constant 0 : i32
      %cond3A_83 = arith.cmpi ne, %convert_element_type3A_81, %cond3A_82 : i32
      scf.if %cond3A_83 {
        %add3A_99 = arith.constant 4 : i32
        %add3A_100 = arith.addi %add3A_72, %add3A_99 : i32
        %dma_start3A_101 = arith.constant 0 : i32
        %dma_start3A_102 = tpu.memref_slice %arg8[%add3A_100, %dma_start3A_101] : memref<80x128xi32, #tpu.memory_space<vmem>> -> memref<1x128xi32, #tpu.memory_space<vmem>>
        %dma_start3A_103 = tpu.memref_squeeze %dma_start3A_102 : memref<1x128xi32, #tpu.memory_space<vmem>> -> memref<128xi32, #tpu.memory_space<vmem>>
        %dma_start3A_104 = arith.constant 0 : i32
        %dma_start3A_105 = arith.constant 0 : i32
        %dma_start3A_106 = tpu.memref_slice %arg2[%dma_start3A_104, %dma_start3A_105] : memref<10240x16xf32, #tpu.memory_space<hbm>> -> memref<10240x16xf32, #tpu.memory_space<hbm>>
        tpu.enqueue_indirect_dma source(%dma_start3A_106 : memref<10240x16xf32, #tpu.memory_space<hbm>>) target(%arg12 : memref<128x16xf32, #tpu.memory_space<vmem>>) offsets(%dma_start3A_103 : memref<128xi32, #tpu.memory_space<vmem>>) semaphore(%arg16 : memref<!tpu.dma_semaphore, #tpu.memory_space<semaphore_mem>>)
      } else {
      }
      %mul3A_84 = arith.constant 4 : i32
      %mul3A_85 = arith.muli %scan3A_42, %mul3A_84 : i32
      %add3A_86 = arith.constant 3 : i32
      %add3A_87 = arith.addi %mul3A_85, %add3A_86 : i32
      %dma_wait3A_88 = arith.constant 0 : i32
      %dma_wait3A_89 = tpu.memref_slice %arg8[%add3A_87, %dma_wait3A_88] : memref<80x128xi32, #tpu.memory_space<vmem>> -> memref<1x128xi32, #tpu.memory_space<vmem>>
      %dma_wait3A_90 = tpu.memref_squeeze %dma_wait3A_89 : memref<1x128xi32, #tpu.memory_space<vmem>> -> memref<128xi32, #tpu.memory_space<vmem>>
      %dma_wait3A_91 = arith.constant 0 : i32
      %dma_wait3A_92 = arith.constant 0 : i32
      %dma_wait3A_93 = tpu.memref_slice %arg2[%dma_wait3A_91, %dma_wait3A_92] : memref<10240x16xf32, #tpu.memory_space<hbm>> -> memref<10240x16xf32, #tpu.memory_space<hbm>>
      tpu.wait_indirect_dma semaphore(%arg17 : memref<!tpu.dma_semaphore, #tpu.memory_space<semaphore_mem>>) src(%dma_wait3A_93 : memref<10240x16xf32, #tpu.memory_space<hbm>>) dst(%arg13 : memref<128x16xf32, #tpu.memory_space<vmem>>)
      "tpu.region"() ({
        %run_scoped3A = tpu.sem_alloc : memref<!tpu.dma_semaphore, #tpu.memory_space<semaphore_mem>>
        %dma_start3A_99 = arith.constant 0 : i32
        %dma_start3A_100 = tpu.memref_slice %arg9[%add3A_87, %dma_start3A_99] : memref<80x128xi32, #tpu.memory_space<vmem>> -> memref<1x128xi32, #tpu.memory_space<vmem>>
        %dma_start3A_101 = tpu.memref_squeeze %dma_start3A_100 : memref<1x128xi32, #tpu.memory_space<vmem>> -> memref<128xi32, #tpu.memory_space<vmem>>
        %dma_start3A_102 = arith.constant 0 : i32
        %dma_start3A_103 = arith.constant 0 : i32
        %dma_start3A_104 = tpu.memref_slice %arg7[%dma_start3A_102, %dma_start3A_103] : memref<10240x16xf32, #tpu.memory_space<vmem_shared>> -> memref<10240x16xf32, #tpu.memory_space<vmem_shared>>
        tpu.enqueue_indirect_dma source(%arg13 : memref<128x16xf32, #tpu.memory_space<vmem>>) target(%dma_start3A_104 : memref<10240x16xf32, #tpu.memory_space<vmem_shared>>) offsets(%dma_start3A_101 : memref<128xi32, #tpu.memory_space<vmem>>) semaphore(%run_scoped3A : memref<!tpu.dma_semaphore, #tpu.memory_space<semaphore_mem>>) {add = true}
        %dma_wait3A_105 = arith.constant 0 : i32
        %dma_wait3A_106 = tpu.memref_slice %arg9[%add3A_87, %dma_wait3A_105] : memref<80x128xi32, #tpu.memory_space<vmem>> -> memref<1x128xi32, #tpu.memory_space<vmem>>
        %dma_wait3A_107 = tpu.memref_squeeze %dma_wait3A_106 : memref<1x128xi32, #tpu.memory_space<vmem>> -> memref<128xi32, #tpu.memory_space<vmem>>
        %dma_wait3A_108 = arith.constant 0 : i32
        %dma_wait3A_109 = arith.constant 0 : i32
        %dma_wait3A_110 = tpu.memref_slice %arg7[%dma_wait3A_108, %dma_wait3A_109] : memref<10240x16xf32, #tpu.memory_space<vmem_shared>> -> memref<10240x16xf32, #tpu.memory_space<vmem_shared>>
        tpu.wait_indirect_dma semaphore(%run_scoped3A : memref<!tpu.dma_semaphore, #tpu.memory_space<semaphore_mem>>) src(%arg13 : memref<128x16xf32, #tpu.memory_space<vmem>>) dst(%dma_wait3A_110 : memref<10240x16xf32, #tpu.memory_space<vmem_shared>>)
        tpu.yield
      }) : () -> ()
      %lt3A_94 = arith.constant 19 : i32
      %lt3A_95 = arith.cmpi slt, %scan3A_42, %lt3A_94 : i32
      %convert_element_type3A_96 = arith.extui %lt3A_95 : i1 to i32
      %cond3A_97 = arith.constant 0 : i32
      %cond3A_98 = arith.cmpi ne, %convert_element_type3A_96, %cond3A_97 : i32
      scf.if %cond3A_98 {
        %add3A_99 = arith.constant 4 : i32
        %add3A_100 = arith.addi %add3A_87, %add3A_99 : i32
        %dma_start3A_101 = arith.constant 0 : i32
        %dma_start3A_102 = tpu.memref_slice %arg8[%add3A_100, %dma_start3A_101] : memref<80x128xi32, #tpu.memory_space<vmem>> -> memref<1x128xi32, #tpu.memory_space<vmem>>
        %dma_start3A_103 = tpu.memref_squeeze %dma_start3A_102 : memref<1x128xi32, #tpu.memory_space<vmem>> -> memref<128xi32, #tpu.memory_space<vmem>>
        %dma_start3A_104 = arith.constant 0 : i32
        %dma_start3A_105 = arith.constant 0 : i32
        %dma_start3A_106 = tpu.memref_slice %arg2[%dma_start3A_104, %dma_start3A_105] : memref<10240x16xf32, #tpu.memory_space<hbm>> -> memref<10240x16xf32, #tpu.memory_space<hbm>>
        tpu.enqueue_indirect_dma source(%dma_start3A_106 : memref<10240x16xf32, #tpu.memory_space<hbm>>) target(%arg13 : memref<128x16xf32, #tpu.memory_space<vmem>>) offsets(%dma_start3A_103 : memref<128xi32, #tpu.memory_space<vmem>>) semaphore(%arg17 : memref<!tpu.dma_semaphore, #tpu.memory_space<semaphore_mem>>)
      } else {
      }
    }
    %scan3A_36 = arith.constant 20 : i32
    %barrier3A_37 = arith.constant 0 : index
    tpu.barrier barrier_id(%barrier3A_37)
    %mul3A_38 = arith.constant 640 : i32
    %mul3A_39 = arith.muli %arg1, %mul3A_38 : i32
    %mul3A_40 = arith.constant 640 : i32
    %mul3A_41 = arith.muli %arg1, %mul3A_40 : i32
    "tpu.region"() ({
      %run_scoped3A = tpu.sem_alloc : memref<!tpu.dma_semaphore, #tpu.memory_space<semaphore_mem>>
      %dma_start3A_42 = arith.constant 0 : i32
      %dma_start3A_43 = tpu.memref_slice %arg6[%arg0, %mul3A_41, %dma_start3A_42] : memref<2x10240x16xf32, #tpu.memory_space<hbm>> -> memref<1x640x16xf32, #tpu.memory_space<hbm>>
      %dma_start3A_44 = tpu.memref_squeeze %dma_start3A_43 : memref<1x640x16xf32, #tpu.memory_space<hbm>> -> memref<640x16xf32, #tpu.memory_space<hbm>>
      %dma_start3A_45 = arith.constant 0 : i32
      %dma_start3A_46 = tpu.memref_slice %arg7[%mul3A_39, %dma_start3A_45] : memref<10240x16xf32, #tpu.memory_space<vmem_shared>> -> memref<640x16xf32, #tpu.memory_space<vmem_shared>>
      tpu.enqueue_dma source(%dma_start3A_46 : memref<640x16xf32, #tpu.memory_space<vmem_shared>>) target(%dma_start3A_44 : memref<640x16xf32, #tpu.memory_space<hbm>>) target_semaphore(%run_scoped3A : memref<!tpu.dma_semaphore, #tpu.memory_space<semaphore_mem>>)
      %dma_wait3A = arith.constant 0 : i32
      %dma_wait3A_47 = tpu.memref_slice %arg6[%arg0, %mul3A_41, %dma_wait3A] : memref<2x10240x16xf32, #tpu.memory_space<hbm>> -> memref<1x640x16xf32, #tpu.memory_space<hbm>>
      %dma_wait3A_48 = tpu.memref_squeeze %dma_wait3A_47 : memref<1x640x16xf32, #tpu.memory_space<hbm>> -> memref<640x16xf32, #tpu.memory_space<hbm>>
      %dma_wait3A_49 = arith.constant 0 : i32
      %dma_wait3A_50 = tpu.memref_slice %arg7[%mul3A_39, %dma_wait3A_49] : memref<10240x16xf32, #tpu.memory_space<vmem_shared>> -> memref<640x16xf32, #tpu.memory_space<vmem_shared>>
      tpu.wait_dma2 semaphore(%run_scoped3A : memref<!tpu.dma_semaphore, #tpu.memory_space<semaphore_mem>>) src(%dma_wait3A_50 : memref<640x16xf32, #tpu.memory_space<vmem_shared>>) dst(%dma_wait3A_48 : memref<640x16xf32, #tpu.memory_space<hbm>>)
      tpu.yield
    }) : () -> ()
    return
  }
}

module attributes {stable_mosaic.version = 14 : i64} {
  func.func @_tc1_body(%arg0: i32, %arg1: memref<1024x128xf32, #tpu.memory_space<vmem>>, %arg2: memref<128x64xf32, #tpu.memory_space<vmem>>, %arg3: memref<2x1024x16xf32, #tpu.memory_space<vmem>>, %arg4: memref<1024x64xf32, #tpu.memory_space<vmem>>) attributes {dimension_semantics = [#tpu.dimension_semantics<arbitrary>], iteration_bounds = array<i64: 10>, scalar_prefetch = 0 : i64, scratch_operands = 0 : i64, tpu.core_type = #tpu.core_type<tc>, window_params = [{transform_indices = @transform_0, window_bounds = array<i64: 1024, 128>}, {pipeline_mode = #tpu.pipeline_mode<synchronous>, transform_indices = @transform_1, window_bounds = array<i64: 128, 64>}, {transform_indices = @transform_2, window_bounds = array<i64: 2, 1024, 16>}, {transform_indices = @transform_3, window_bounds = array<i64: 1024, 64>}]} {
    %get3A = arith.constant 0 : index
    %get3A_0 = arith.constant 0 : index
    %get3A_1 = arith.constant 0 : index
    %get3A_2 = vector.load %arg3[%get3A, %get3A_0, %get3A_1] : memref<2x1024x16xf32, #tpu.memory_space<vmem>>, vector<2x1024x16xf32>
    %slice3A = vector.extract_strided_slice %get3A_2 {offsets = [0, 0, 0], sizes = [1, 1024, 16], strides = [1, 1, 1]} : vector<2x1024x16xf32> to vector<1x1024x16xf32>
    %squeeze3A = vector.shape_cast %slice3A : vector<1x1024x16xf32> to vector<1024x16xf32>
    %slice3A_3 = vector.extract_strided_slice %squeeze3A {offsets = [0, 0], sizes = [1024, 1], strides = [1, 1]} : vector<1024x16xf32> to vector<1024x1xf32>
    %slice3A_4 = vector.extract_strided_slice %get3A_2 {offsets = [1, 0, 0], sizes = [1, 1024, 16], strides = [1, 1, 1]} : vector<2x1024x16xf32> to vector<1x1024x16xf32>
    %squeeze3A_5 = vector.shape_cast %slice3A_4 : vector<1x1024x16xf32> to vector<1024x16xf32>
    %slice3A_6 = vector.extract_strided_slice %squeeze3A_5 {offsets = [0, 0], sizes = [1024, 1], strides = [1, 1]} : vector<1024x16xf32> to vector<1024x1xf32>
    %add3A = arith.addf %slice3A_3, %slice3A_6 : vector<1024x1xf32>
    %add3A_7 = arith.constant 1.000000e+00 : f32
    %add3A_8 = vector.broadcast %add3A_7 : f32 to vector<1024x1xf32>
    %add3A_9 = arith.addf %add3A, %add3A_8 : vector<1024x1xf32>
    %rsqrt3A = math.rsqrt %add3A_9 : vector<1024x1xf32>
    %get3A_10 = arith.constant 0 : index
    %get3A_11 = arith.constant 0 : index
    %get3A_12 = vector.load %arg1[%get3A_10, %get3A_11] : memref<1024x128xf32, #tpu.memory_space<vmem>>, vector<1024x128xf32>
    %get3A_13 = arith.constant 0 : index
    %get3A_14 = arith.constant 0 : index
    %get3A_15 = vector.load %arg2[%get3A_13, %get3A_14] : memref<128x64xf32, #tpu.memory_space<vmem>>, vector<128x64xf32>
    %dot_general3A = arith.constant dense<0.000000e+00> : vector<1024x64xf32>
    %dot_general3A_16 = tpu.matmul %get3A_12, %get3A_15, %dot_general3A {dimension_numbers = #tpu.dot_dimension_numbers<[1], [0], [0], [1], [0, 0, 1, 1], [], []>, transpose_lhs_hint = false} : vector<1024x128xf32>, vector<128x64xf32>, vector<1024x64xf32> -> vector<1024x64xf32>
    %mul3A = vector.broadcast %rsqrt3A : vector<1024x1xf32> to vector<1024x64xf32>
    %mul3A_17 = arith.mulf %dot_general3A_16, %mul3A : vector<1024x64xf32>
    %swap3A = arith.constant 0 : index
    %swap3A_18 = arith.constant 0 : index
    %swap3A_19 = vector.load %arg4[%swap3A, %swap3A_18] : memref<1024x64xf32, #tpu.memory_space<vmem>>, vector<1024x64xf32>
    tpu.vector_store %arg4[%swap3A, %swap3A_18], %mul3A_17 {strides = array<i32>} : memref<1024x64xf32, #tpu.memory_space<vmem>>, vector<1024x64xf32>,
    return
  }
  func.func @transform_0(%arg0: i32) -> (i32, i32) {
    %c0_i32 = arith.constant 0 : i32
    %c0_i32_0 = arith.constant 0 : i32
    return %arg0, %c0_i32 : i32, i32
  }
  func.func @transform_1(%arg0: i32) -> (i32, i32) {
    %c0_i32 = arith.constant 0 : i32
    %c0_i32_0 = arith.constant 0 : i32
    %c0_i32_1 = arith.constant 0 : i32
    return %c0_i32, %c0_i32_0 : i32, i32
  }
  func.func @transform_2(%arg0: i32) -> (i32, i32, i32) {
    %c0_i32 = arith.constant 0 : i32
    %c0_i32_0 = arith.constant 0 : i32
    %c0_i32_1 = arith.constant 0 : i32
    return %c0_i32, %arg0, %c0_i32_0 : i32, i32, i32
  }
  func.func @transform_3(%arg0: i32) -> (i32, i32) {
    %c0_i32 = arith.constant 0 : i32
    %c0_i32_0 = arith.constant 0 : i32
    return %arg0, %c0_i32 : i32, i32
  }
}

module attributes {stable_mosaic.version = 14 : i64} {
  func.func @_tc2_body(%arg0: i32, %arg1: memref<2x1024x64xf32, #tpu.memory_space<vmem>>, %arg2: memref<1024x64xf32, #tpu.memory_space<vmem>>, %arg3: memref<2x1024x16xf32, #tpu.memory_space<vmem>>, %arg4: memref<1x64xf32, #tpu.memory_space<vmem>>, %arg5: memref<64x16xf32, #tpu.memory_space<vmem>>, %arg6: memref<1024x16xf32, #tpu.memory_space<vmem>>) attributes {dimension_semantics = [#tpu.dimension_semantics<arbitrary>], iteration_bounds = array<i64: 10>, scalar_prefetch = 0 : i64, scratch_operands = 0 : i64, tpu.core_type = #tpu.core_type<tc>, window_params = [{transform_indices = @transform_0, window_bounds = array<i64: 2, 1024, 64>}, {transform_indices = @transform_1, window_bounds = array<i64: 1024, 64>}, {transform_indices = @transform_2, window_bounds = array<i64: 2, 1024, 16>}, {pipeline_mode = #tpu.pipeline_mode<synchronous>, transform_indices = @transform_3, window_bounds = array<i64: 1, 64>}, {pipeline_mode = #tpu.pipeline_mode<synchronous>, transform_indices = @transform_4, window_bounds = array<i64: 64, 16>}, {transform_indices = @transform_5, window_bounds = array<i64: 1024, 16>}]} {
    %get3A = arith.constant 0 : index
    %get3A_0 = arith.constant 0 : index
    %get3A_1 = arith.constant 0 : index
    %get3A_2 = vector.load %arg3[%get3A, %get3A_0, %get3A_1] : memref<2x1024x16xf32, #tpu.memory_space<vmem>>, vector<2x1024x16xf32>
    %slice3A = vector.extract_strided_slice %get3A_2 {offsets = [0, 0, 0], sizes = [1, 1024, 16], strides = [1, 1, 1]} : vector<2x1024x16xf32> to vector<1x1024x16xf32>
    %squeeze3A = vector.shape_cast %slice3A : vector<1x1024x16xf32> to vector<1024x16xf32>
    %slice3A_3 = vector.extract_strided_slice %squeeze3A {offsets = [0, 0], sizes = [1024, 1], strides = [1, 1]} : vector<1024x16xf32> to vector<1024x1xf32>
    %slice3A_4 = vector.extract_strided_slice %get3A_2 {offsets = [1, 0, 0], sizes = [1, 1024, 16], strides = [1, 1, 1]} : vector<2x1024x16xf32> to vector<1x1024x16xf32>
    %squeeze3A_5 = vector.shape_cast %slice3A_4 : vector<1x1024x16xf32> to vector<1024x16xf32>
    %slice3A_6 = vector.extract_strided_slice %squeeze3A_5 {offsets = [0, 0], sizes = [1024, 1], strides = [1, 1]} : vector<1024x16xf32> to vector<1024x1xf32>
    %add3A = arith.addf %slice3A_3, %slice3A_6 : vector<1024x1xf32>
    %add3A_7 = arith.constant 1.000000e+00 : f32
    %add3A_8 = vector.broadcast %add3A_7 : f32 to vector<1024x1xf32>
    %add3A_9 = arith.addf %add3A, %add3A_8 : vector<1024x1xf32>
    %rsqrt3A = math.rsqrt %add3A_9 : vector<1024x1xf32>
    %get3A_10 = arith.constant 0 : index
    %get3A_11 = arith.constant 0 : index
    %get3A_12 = arith.constant 0 : index
    %get3A_13 = vector.load %arg1[%get3A_10, %get3A_11, %get3A_12] : memref<2x1024x64xf32, #tpu.memory_space<vmem>>, vector<1x1024x64xf32>
    %get3A_14 = vector.shape_cast %get3A_13 : vector<1x1024x64xf32> to vector<1024x64xf32>
    %get3A_15 = arith.constant 1 : index
    %get3A_16 = arith.constant 0 : index
    %get3A_17 = arith.constant 0 : index
    %get3A_18 = vector.load %arg1[%get3A_15, %get3A_16, %get3A_17] : memref<2x1024x64xf32, #tpu.memory_space<vmem>>, vector<1x1024x64xf32>
    %get3A_19 = vector.shape_cast %get3A_18 : vector<1x1024x64xf32> to vector<1024x64xf32>
    %add3A_20 = arith.addf %get3A_14, %get3A_19 : vector<1024x64xf32>
    %get3A_21 = arith.constant 0 : index
    %get3A_22 = arith.constant 0 : index
    %get3A_23 = vector.load %arg2[%get3A_21, %get3A_22] : memref<1024x64xf32, #tpu.memory_space<vmem>>, vector<1024x64xf32>
    %add3A_24 = arith.addf %add3A_20, %get3A_23 : vector<1024x64xf32>
    %mul3A = vector.broadcast %rsqrt3A : vector<1024x1xf32> to vector<1024x64xf32>
    %mul3A_25 = arith.mulf %add3A_24, %mul3A : vector<1024x64xf32>
    %get3A_26 = arith.constant 0 : index
    %get3A_27 = arith.constant 0 : index
    %get3A_28 = vector.load %arg4[%get3A_26, %get3A_27] : memref<1x64xf32, #tpu.memory_space<vmem>>, vector<1x64xf32>
    %add3A_29 = vector.broadcast %get3A_28 : vector<1x64xf32> to vector<1024x64xf32>
    %add3A_30 = arith.addf %mul3A_25, %add3A_29 : vector<1024x64xf32>
    %max3A = arith.constant 0.000000e+00 : f32
    %max3A_31 = vector.broadcast %max3A : f32 to vector<1024x64xf32>
    %max3A_32 = arith.maximumf %add3A_30, %max3A_31 : vector<1024x64xf32>
    %get3A_33 = arith.constant 0 : index
    %get3A_34 = arith.constant 0 : index
    %get3A_35 = vector.load %arg5[%get3A_33, %get3A_34] : memref<64x16xf32, #tpu.memory_space<vmem>>, vector<64x16xf32>
    %dot_general3A = arith.constant dense<0.000000e+00> : vector<1024x16xf32>
    %dot_general3A_36 = tpu.matmul %max3A_32, %get3A_35, %dot_general3A {dimension_numbers = #tpu.dot_dimension_numbers<[1], [0], [0], [1], [0, 0, 1, 1], [], []>, transpose_lhs_hint = false} : vector<1024x64xf32>, vector<64x16xf32>, vector<1024x16xf32> -> vector<1024x16xf32>
    %mul3A_37 = vector.broadcast %rsqrt3A : vector<1024x1xf32> to vector<1024x16xf32>
    %mul3A_38 = arith.mulf %dot_general3A_36, %mul3A_37 : vector<1024x16xf32>
    %swap3A = arith.constant 0 : index
    %swap3A_39 = arith.constant 0 : index
    %swap3A_40 = vector.load %arg6[%swap3A, %swap3A_39] : memref<1024x16xf32, #tpu.memory_space<vmem>>, vector<1024x16xf32>
    tpu.vector_store %arg6[%swap3A, %swap3A_39], %mul3A_38 {strides = array<i32>} : memref<1024x16xf32, #tpu.memory_space<vmem>>, vector<1024x16xf32>,
    return
  }
  func.func @transform_0(%arg0: i32) -> (i32, i32, i32) {
    %c0_i32 = arith.constant 0 : i32
    %c0_i32_0 = arith.constant 0 : i32
    %c0_i32_1 = arith.constant 0 : i32
    return %c0_i32, %arg0, %c0_i32_0 : i32, i32, i32
  }
  func.func @transform_1(%arg0: i32) -> (i32, i32) {
    %c0_i32 = arith.constant 0 : i32
    %c0_i32_0 = arith.constant 0 : i32
    return %arg0, %c0_i32 : i32, i32
  }
  func.func @transform_2(%arg0: i32) -> (i32, i32, i32) {
    %c0_i32 = arith.constant 0 : i32
    %c0_i32_0 = arith.constant 0 : i32
    %c0_i32_1 = arith.constant 0 : i32
    return %c0_i32, %arg0, %c0_i32_0 : i32, i32, i32
  }
  func.func @transform_3(%arg0: i32) -> (i32, i32) {
    %c0_i32 = arith.constant 0 : i32
    %c0_i32_0 = arith.constant 0 : i32
    %c0_i32_1 = arith.constant 0 : i32
    return %c0_i32, %c0_i32_0 : i32, i32
  }
  func.func @transform_4(%arg0: i32) -> (i32, i32) {
    %c0_i32 = arith.constant 0 : i32
    %c0_i32_0 = arith.constant 0 : i32
    %c0_i32_1 = arith.constant 0 : i32
    return %c0_i32, %c0_i32_0 : i32, i32
  }
  func.func @transform_5(%arg0: i32) -> (i32, i32) {
    %c0_i32 = arith.constant 0 : i32
    %c0_i32_0 = arith.constant 0 : i32
    return %arg0, %c0_i32 : i32, i32
  }
}

module attributes {stable_mosaic.version = 14 : i64} {
  func.func @_tc3_body(%arg0: i32, %arg1: memref<2x1024x16xf32, #tpu.memory_space<vmem>>, %arg2: memref<1024x16xf32, #tpu.memory_space<vmem>>, %arg3: memref<2x1024x16xf32, #tpu.memory_space<vmem>>, %arg4: memref<1x16xf32, #tpu.memory_space<vmem>>, %arg5: memref<1024x16xf32, #tpu.memory_space<vmem>>, %arg6: memref<16x16xf32, #tpu.memory_space<vmem>>, %arg7: memref<1x16xf32, #tpu.memory_space<vmem>>, %arg8: memref<16x1xf32, #tpu.memory_space<vmem>>, %arg9: memref<16x128xf32, #tpu.memory_space<vmem>>, %arg10: memref<1x128xf32, #tpu.memory_space<vmem>>, %arg11: memref<1024x128xf32, #tpu.memory_space<vmem>>) attributes {dimension_semantics = [#tpu.dimension_semantics<arbitrary>], iteration_bounds = array<i64: 10>, scalar_prefetch = 0 : i64, scratch_operands = 0 : i64, tpu.core_type = #tpu.core_type<tc>, window_params = [{transform_indices = @transform_0, window_bounds = array<i64: 2, 1024, 16>}, {transform_indices = @transform_1, window_bounds = array<i64: 1024, 16>}, {transform_indices = @transform_2, window_bounds = array<i64: 2, 1024, 16>}, {pipeline_mode = #tpu.pipeline_mode<synchronous>, transform_indices = @transform_3, window_bounds = array<i64: 1, 16>}, {transform_indices = @transform_4, window_bounds = array<i64: 1024, 16>}, {pipeline_mode = #tpu.pipeline_mode<synchronous>, transform_indices = @transform_5, window_bounds = array<i64: 16, 16>}, {pipeline_mode = #tpu.pipeline_mode<synchronous>, transform_indices = @transform_6, window_bounds = array<i64: 1, 16>}, {pipeline_mode = #tpu.pipeline_mode<synchronous>, transform_indices = @transform_7, window_bounds = array<i64: 16, 1>}, {pipeline_mode = #tpu.pipeline_mode<synchronous>, transform_indices = @transform_8, window_bounds = array<i64: 16, 128>}, {pipeline_mode = #tpu.pipeline_mode<synchronous>, transform_indices = @transform_9, window_bounds = array<i64: 1, 128>}, {transform_indices = @transform_10, window_bounds = array<i64: 1024, 128>}]} {
    %get3A = arith.constant 0 : index
    %get3A_0 = arith.constant 0 : index
    %get3A_1 = arith.constant 0 : index
    %get3A_2 = vector.load %arg3[%get3A, %get3A_0, %get3A_1] : memref<2x1024x16xf32, #tpu.memory_space<vmem>>, vector<2x1024x16xf32>
    %slice3A = vector.extract_strided_slice %get3A_2 {offsets = [0, 0, 0], sizes = [1, 1024, 16], strides = [1, 1, 1]} : vector<2x1024x16xf32> to vector<1x1024x16xf32>
    %squeeze3A = vector.shape_cast %slice3A : vector<1x1024x16xf32> to vector<1024x16xf32>
    %slice3A_3 = vector.extract_strided_slice %squeeze3A {offsets = [0, 0], sizes = [1024, 1], strides = [1, 1]} : vector<1024x16xf32> to vector<1024x1xf32>
    %slice3A_4 = vector.extract_strided_slice %get3A_2 {offsets = [1, 0, 0], sizes = [1, 1024, 16], strides = [1, 1, 1]} : vector<2x1024x16xf32> to vector<1x1024x16xf32>
    %squeeze3A_5 = vector.shape_cast %slice3A_4 : vector<1x1024x16xf32> to vector<1024x16xf32>
    %slice3A_6 = vector.extract_strided_slice %squeeze3A_5 {offsets = [0, 0], sizes = [1024, 1], strides = [1, 1]} : vector<1024x16xf32> to vector<1024x1xf32>
    %add3A = arith.addf %slice3A_3, %slice3A_6 : vector<1024x1xf32>
    %add3A_7 = arith.constant 1.000000e+00 : f32
    %add3A_8 = vector.broadcast %add3A_7 : f32 to vector<1024x1xf32>
    %add3A_9 = arith.addf %add3A, %add3A_8 : vector<1024x1xf32>
    %rsqrt3A = math.rsqrt %add3A_9 : vector<1024x1xf32>
    %get3A_10 = arith.constant 0 : index
    %get3A_11 = arith.constant 0 : index
    %get3A_12 = arith.constant 0 : index
    %get3A_13 = vector.load %arg1[%get3A_10, %get3A_11, %get3A_12] : memref<2x1024x16xf32, #tpu.memory_space<vmem>>, vector<1x1024x16xf32>
    %get3A_14 = vector.shape_cast %get3A_13 : vector<1x1024x16xf32> to vector<1024x16xf32>
    %get3A_15 = arith.constant 1 : index
    %get3A_16 = arith.constant 0 : index
    %get3A_17 = arith.constant 0 : index
    %get3A_18 = vector.load %arg1[%get3A_15, %get3A_16, %get3A_17] : memref<2x1024x16xf32, #tpu.memory_space<vmem>>, vector<1x1024x16xf32>
    %get3A_19 = vector.shape_cast %get3A_18 : vector<1x1024x16xf32> to vector<1024x16xf32>
    %add3A_20 = arith.addf %get3A_14, %get3A_19 : vector<1024x16xf32>
    %get3A_21 = arith.constant 0 : index
    %get3A_22 = arith.constant 0 : index
    %get3A_23 = vector.load %arg2[%get3A_21, %get3A_22] : memref<1024x16xf32, #tpu.memory_space<vmem>>, vector<1024x16xf32>
    %add3A_24 = arith.addf %add3A_20, %get3A_23 : vector<1024x16xf32>
    %mul3A = vector.broadcast %rsqrt3A : vector<1024x1xf32> to vector<1024x16xf32>
    %mul3A_25 = arith.mulf %add3A_24, %mul3A : vector<1024x16xf32>
    %get3A_26 = arith.constant 0 : index
    %get3A_27 = arith.constant 0 : index
    %get3A_28 = vector.load %arg4[%get3A_26, %get3A_27] : memref<1x16xf32, #tpu.memory_space<vmem>>, vector<1x16xf32>
    %add3A_29 = vector.broadcast %get3A_28 : vector<1x16xf32> to vector<1024x16xf32>
    %add3A_30 = arith.addf %mul3A_25, %add3A_29 : vector<1024x16xf32>
    %get3A_31 = arith.constant 0 : index
    %get3A_32 = arith.constant 0 : index
    %get3A_33 = vector.load %arg5[%get3A_31, %get3A_32] : memref<1024x16xf32, #tpu.memory_space<vmem>>, vector<1024x16xf32>
    %get3A_34 = arith.constant 0 : index
    %get3A_35 = arith.constant 0 : index
    %get3A_36 = vector.load %arg6[%get3A_34, %get3A_35] : memref<16x16xf32, #tpu.memory_space<vmem>>, vector<16x16xf32>
    %get3A_37 = arith.constant 0 : index
    %get3A_38 = arith.constant 0 : index
    %get3A_39 = vector.load %arg7[%get3A_37, %get3A_38] : memref<1x16xf32, #tpu.memory_space<vmem>>, vector<1x16xf32>
    %get3A_40 = arith.constant 0 : index
    %get3A_41 = arith.constant 0 : index
    %get3A_42 = vector.load %arg8[%get3A_40, %get3A_41] : memref<16x1xf32, #tpu.memory_space<vmem>>, vector<16x1xf32>
    %dot_general3A = arith.constant dense<0.000000e+00> : vector<1024x16xf32>
    %dot_general3A_43 = tpu.matmul %add3A_30, %get3A_36, %dot_general3A {dimension_numbers = #tpu.dot_dimension_numbers<[1], [0], [0], [1], [0, 0, 1, 1], [], []>, transpose_lhs_hint = false} : vector<1024x16xf32>, vector<16x16xf32>, vector<1024x16xf32> -> vector<1024x16xf32>
    %add3A_44 = vector.broadcast %get3A_39 : vector<1x16xf32> to vector<1024x16xf32>
    %add3A_45 = arith.addf %dot_general3A_43, %add3A_44 : vector<1024x16xf32>
    %tanh3A = math.tanh %add3A_45 : vector<1024x16xf32>
    %dot_general3A_46 = arith.constant dense<0.000000e+00> : vector<1024x16xf32>
    %dot_general3A_47 = tpu.matmul %get3A_33, %get3A_36, %dot_general3A_46 {dimension_numbers = #tpu.dot_dimension_numbers<[1], [0], [0], [1], [0, 0, 1, 1], [], []>, transpose_lhs_hint = false} : vector<1024x16xf32>, vector<16x16xf32>, vector<1024x16xf32> -> vector<1024x16xf32>
    %add3A_48 = vector.broadcast %get3A_39 : vector<1x16xf32> to vector<1024x16xf32>
    %add3A_49 = arith.addf %dot_general3A_47, %add3A_48 : vector<1024x16xf32>
    %tanh3A_50 = math.tanh %add3A_49 : vector<1024x16xf32>
    %dot_general3A_51 = arith.constant dense<0.000000e+00> : vector<1024x1xf32>
    %dot_general3A_52 = tpu.matmul %tanh3A, %get3A_42, %dot_general3A_51 {dimension_numbers = #tpu.dot_dimension_numbers<[1], [0], [0], [1], [0, 0, 1, 1], [], []>, transpose_lhs_hint = false} : vector<1024x16xf32>, vector<16x1xf32>, vector<1024x1xf32> -> vector<1024x1xf32>
    %dot_general3A_53 = arith.constant dense<0.000000e+00> : vector<1024x1xf32>
    %dot_general3A_54 = tpu.matmul %tanh3A_50, %get3A_42, %dot_general3A_53 {dimension_numbers = #tpu.dot_dimension_numbers<[1], [0], [0], [1], [0, 0, 1, 1], [], []>, transpose_lhs_hint = false} : vector<1024x16xf32>, vector<16x1xf32>, vector<1024x1xf32> -> vector<1024x1xf32>
    %max3A = arith.maximumf %dot_general3A_52, %dot_general3A_54 : vector<1024x1xf32>
    %sub3A = arith.subf %dot_general3A_52, %max3A : vector<1024x1xf32>
    %exp3A = math.exp %sub3A : vector<1024x1xf32>
    %sub3A_55 = arith.subf %dot_general3A_54, %max3A : vector<1024x1xf32>
    %exp3A_56 = math.exp %sub3A_55 : vector<1024x1xf32>
    %add3A_57 = arith.addf %exp3A, %exp3A_56 : vector<1024x1xf32>
    %div3A = arith.divf %exp3A, %add3A_57 : vector<1024x1xf32>
    %mul3A_58 = vector.broadcast %div3A : vector<1024x1xf32> to vector<1024x16xf32>
    %mul3A_59 = arith.mulf %mul3A_58, %add3A_30 : vector<1024x16xf32>
    %div3A_60 = arith.divf %exp3A_56, %add3A_57 : vector<1024x1xf32>
    %mul3A_61 = vector.broadcast %div3A_60 : vector<1024x1xf32> to vector<1024x16xf32>
    %mul3A_62 = arith.mulf %mul3A_61, %get3A_33 : vector<1024x16xf32>
    %add3A_63 = arith.addf %mul3A_59, %mul3A_62 : vector<1024x16xf32>
    %get3A_64 = arith.constant 0 : index
    %get3A_65 = arith.constant 0 : index
    %get3A_66 = vector.load %arg9[%get3A_64, %get3A_65] : memref<16x128xf32, #tpu.memory_space<vmem>>, vector<16x128xf32>
    %dot_general3A_67 = arith.constant dense<0.000000e+00> : vector<1024x128xf32>
    %dot_general3A_68 = tpu.matmul %add3A_63, %get3A_66, %dot_general3A_67 {dimension_numbers = #tpu.dot_dimension_numbers<[1], [0], [0], [1], [0, 0, 1, 1], [], []>, transpose_lhs_hint = false} : vector<1024x16xf32>, vector<16x128xf32>, vector<1024x128xf32> -> vector<1024x128xf32>
    %get3A_69 = arith.constant 0 : index
    %get3A_70 = arith.constant 0 : index
    %get3A_71 = vector.load %arg10[%get3A_69, %get3A_70] : memref<1x128xf32, #tpu.memory_space<vmem>>, vector<1x128xf32>
    %add3A_72 = vector.broadcast %get3A_71 : vector<1x128xf32> to vector<1024x128xf32>
    %add3A_73 = arith.addf %dot_general3A_68, %add3A_72 : vector<1024x128xf32>
    %swap3A = arith.constant 0 : index
    %swap3A_74 = arith.constant 0 : index
    %swap3A_75 = vector.load %arg11[%swap3A, %swap3A_74] : memref<1024x128xf32, #tpu.memory_space<vmem>>, vector<1024x128xf32>
    tpu.vector_store %arg11[%swap3A, %swap3A_74], %add3A_73 {strides = array<i32>} : memref<1024x128xf32, #tpu.memory_space<vmem>>, vector<1024x128xf32>,
    return
  }
  func.func @transform_0(%arg0: i32) -> (i32, i32, i32) {
    %c0_i32 = arith.constant 0 : i32
    %c0_i32_0 = arith.constant 0 : i32
    %c0_i32_1 = arith.constant 0 : i32
    return %c0_i32, %arg0, %c0_i32_0 : i32, i32, i32
  }
  func.func @transform_1(%arg0: i32) -> (i32, i32) {
    %c0_i32 = arith.constant 0 : i32
    %c0_i32_0 = arith.constant 0 : i32
    return %arg0, %c0_i32 : i32, i32
  }
  func.func @transform_2(%arg0: i32) -> (i32, i32, i32) {
    %c0_i32 = arith.constant 0 : i32
    %c0_i32_0 = arith.constant 0 : i32
    %c0_i32_1 = arith.constant 0 : i32
    return %c0_i32, %arg0, %c0_i32_0 : i32, i32, i32
  }
  func.func @transform_3(%arg0: i32) -> (i32, i32) {
    %c0_i32 = arith.constant 0 : i32
    %c0_i32_0 = arith.constant 0 : i32
    %c0_i32_1 = arith.constant 0 : i32
    return %c0_i32, %c0_i32_0 : i32, i32
  }
  func.func @transform_4(%arg0: i32) -> (i32, i32) {
    %c0_i32 = arith.constant 0 : i32
    %c0_i32_0 = arith.constant 0 : i32
    return %arg0, %c0_i32 : i32, i32
  }
  func.func @transform_5(%arg0: i32) -> (i32, i32) {
    %c0_i32 = arith.constant 0 : i32
    %c0_i32_0 = arith.constant 0 : i32
    %c0_i32_1 = arith.constant 0 : i32
    return %c0_i32, %c0_i32_0 : i32, i32
  }
  func.func @transform_6(%arg0: i32) -> (i32, i32) {
    %c0_i32 = arith.constant 0 : i32
    %c0_i32_0 = arith.constant 0 : i32
    %c0_i32_1 = arith.constant 0 : i32
    return %c0_i32, %c0_i32_0 : i32, i32
  }
  func.func @transform_7(%arg0: i32) -> (i32, i32) {
    %c0_i32 = arith.constant 0 : i32
    %c0_i32_0 = arith.constant 0 : i32
    %c0_i32_1 = arith.constant 0 : i32
    return %c0_i32, %c0_i32_0 : i32, i32
  }
  func.func @transform_8(%arg0: i32) -> (i32, i32) {
    %c0_i32 = arith.constant 0 : i32
    %c0_i32_0 = arith.constant 0 : i32
    %c0_i32_1 = arith.constant 0 : i32
    return %c0_i32, %c0_i32_0 : i32, i32
  }
  func.func @transform_9(%arg0: i32) -> (i32, i32) {
    %c0_i32 = arith.constant 0 : i32
    %c0_i32_0 = arith.constant 0 : i32
    %c0_i32_1 = arith.constant 0 : i32
    return %c0_i32, %c0_i32_0 : i32, i32
  }
  func.func @transform_10(%arg0: i32) -> (i32, i32) {
    %c0_i32 = arith.constant 0 : i32
    %c0_i32_0 = arith.constant 0 : i32
    return %arg0, %c0_i32 : i32, i32
  }
}

</mosaic_0001>

<sc_bundles>
// kernel: kernel.11.cloned.1.call-start
scs
__scs_entry_jumppad:
0x0: {  	(pc) =	sbr.rel $0x88, $3  }
0x1: {  	(tag) =	ssettag $0x0;
	lr =	simm.s32 $0x1  }
0x2: {  	[smem:$0x3F95] =	sst lr;
	_ =	strace $0xD0000000  }
0x3: {  	_ = 	snop  }
0x4: {  	_ = 	snop  }
0x5: {  	_ = 	snop  }
0x6: {  	_ = 	snop  }
0x7: {  	_ = 	snop  }
__scs_overlays_trampoline_lowered:
0x8: {  	[smem:$0x3FA4] =	sst s0  }
0x9: {  	[smem:$0x3FA5] =	sst s1  }
0xa: {  	[smem:$0x3FA6] =	sst s2  }
0xb: {  	[smem:$0x3FA7] =	sst s3  }
0xc: {  	[smem:$0x3FA8] =	sst s4  }
0xd: {  	[smem:$0x3FA9] =	sst s5  }
0xe: {  	[smem:$0x3FAA] =	sst s6  }
0xf: {  	[smem:$0x3FAB] =	sst s7  }
0x10: {  	[smem:$0x3FAC] =	sst s8  }
0x11: {  	[smem:$0x3FAD] =	sst s9;
	s0 =	simm.s32 @!p0 $0x0  }
0x12: {  	s1 =	sld [smem:$0x3F93];
	s0 =	simm.s32 @p0 $0x1  }
0x13: {  	[smem:$0x3FAE] =	sst s0;
	s0 =	simm.s32 @!p1 $0x0  }
0x14: {  	s2 =	sld [smem:$0x3F92];
	s0 =	simm.s32 @p1 $0x1  }
0x15: {  	[smem:$0x3FAF] =	sst s0;
	s0 =	simm.s32 @!p2 $0x0  }
0x16: {  	s3 =	sld [smem:$0x3FDB];
	s0 =	simm.s32 @p2 $0x1  }
0x17: {  	s4 =	simm.s32 $0x1BF5;
	[smem:$0x3FB1] =	sst s0  }
0x18: {  	s0 =	sld [smem:$0x3F94];
	_ =	swait.ge [sflag:s4], $0x0  }
0x19: {  	s7 =	sld [smem:$0x3F95]  }
0x1a: {  	s8 =	sadd.s32 $0xFFFFE003, lr  }
0x1b: {  	s9 =	sadd.s32 $0xFFFFFEF7, lr;
	s5 =	simm.s32 $0xFFFFFFFF;
	p2 =	slt.u32 s8, $0xFFFFF086  }
0x1c: {  	p1 =	slt.u32 s9, $0xF7A;
	s5 =	simm.s32 @!p2 $0x0  }
0x1d: {  	s5 =	simm.s32 @p1 $0x1;
	p0 =	seq.s32 s7, s2  }
0x1e: {  	s7 =	smul.u32 @!p0 $0xF7A, s2;
	p2 =	seq.s32 @!p0 s5, $0x0  }
0x1f: {  	s9 =	smul.u32 $0xF7A, s1;
	s8 =	simm.s32 @!p0 $0x1BF5;
	p2 =	por !p2, p0  }
0x20: {  	[sflag:s8] =	ssyncset.s32 @!p0 $0xFFFFF086;
	s6 =	sadd.s32 @!p0 s3, s7;
	s7 =	simm.s32 @!p0 $0x108  }
0x21: {  	s3 =	sadd.s32 s3, s9;
	s6 =	sadd.s32 @!p0 $0x88, s6;
	s7 =	simm.s32 @p2 $0x1082  }
0x22: {  	[simem:s7], [sflag:s8] =	dma.local @!p0 [hbm:s6], $0xF7A  }
0x23: {  	s9 =	sor.u32 $0xD0000000, s2;
	s6 =	simm.s32 $0x108;
	_ =	swait.ge @!p0 [sflag:s8], $0x0  }
0x24: {  	s3 =	sadd.s32 $0x88, s3;
	s6 =	simm.s32 @!p1 $0x1082;
	[sflag:s4] =	ssyncset.s32 $0xFFFFF086  }
0x25: {  	[simem:s6], [sflag:s4] =	dma.local [hbm:s3], $0xF7A  }
0x26: {  	[smem:$0x3F95] =	sst s1;
	(tag) =	ssettag s2;
	_ =	strace s9  }
0x27: {  	s1 =	sld [smem:$0x3FA5]  }
0x28: {  	s2 =	sld [smem:$0x3FA6]  }
0x29: {  	s4 =	sld [smem:$0x3FA8]  }
0x2a: {  	p0 =	seq.s32 s5, $0x0;
	s5 =	sld [smem:$0x3FA9]  }
0x2b: {  	s6 =	sld [smem:$0x3FAA]  }
0x2c: {  	s7 =	sld [smem:$0x3FAB]  }
0x2d: {  	s3 =	simm.s32 $0x108;
	s8 =	sld [smem:$0x3FAC]  }
0x2e: {  	s3 =	simm.s32 @!p0 $0x1082;
	s9 =	sld [smem:$0x3FAD]  }
0x2f: {  	lr =	sadd.s32 s0, s3;
	s0 =	sld [smem:$0x3FA4]  }
0x30: {  	s3 =	sld [smem:$0x3FA7]  }
0x31: {  	[smem:$0x3FB0] =	sst s10  }
0x32: {  	s10 =	sld [smem:$0x3FAE];
	_ =	sdelay $0x3  }
0x33: {  	p0 =	seq.s32 s10, $0x1;
	s10 =	sld [smem:$0x3FB0];
	_ =	sdelay $0x3  }
0x34: {  	[smem:$0x3FB0] =	sst s10  }
0x35: {  	s10 =	sld [smem:$0x3FAF];
	_ =	sdelay $0x3  }
0x36: {  	p1 =	seq.s32 s10, $0x1;
	s10 =	sld [smem:$0x3FB0];
	_ =	sdelay $0x3  }
0x37: {  	[smem:$0x3FB0] =	sst s10  }
0x38: {  	s10 =	sld [smem:$0x3FB1]  }
0x39: {  	_ = 	snop;
	(pc) =	sbr.ind lr, $3  }
0x3a: {  	_ = 	snop  }
0x3b: {  	_ = 	snop  }
0x3c: {  	p2 =	seq.s32 s10, $0x1;
	s10 =	sld [smem:$0x3FB0]  }
0x3d: {  	_ =	shalt  }
0x3e: {  	_ =	shalt  }
0x3f: {  	_ =	shalt  }
0x40: {  	_ =	shalt  }
0x41: {  	_ =	shalt  }
0x42: {  	_ =	shalt  }
0x43: {  	_ =	shalt  }
0x44: {  	_ =	shalt  }
0x45: {  	_ =	shalt  }
0x46: {  	_ =	shalt  }
0x47: {  	_ =	shalt  }
0x48: {  	_ =	shalt  }
0x49: {  	_ =	shalt  }
0x4a: {  	_ =	shalt  }
0x4b: {  	_ =	shalt  }
0x4c: {  	_ =	shalt  }
0x4d: {  	_ =	shalt  }
0x4e: {  	_ =	shalt  }
0x4f: {  	_ =	shalt  }
0x50: {  	_ =	shalt  }
0x51: {  	_ =	shalt  }
0x52: {  	_ =	shalt  }
0x53: {  	_ =	shalt  }
0x54: {  	_ =	shalt  }
0x55: {  	_ =	shalt  }
0x56: {  	_ =	shalt  }
0x57: {  	_ =	shalt  }
0x58: {  	_ =	shalt  }
0x59: {  	_ =	shalt  }
0x5a: {  	_ =	shalt  }
0x5b: {  	_ =	shalt  }
0x5c: {  	_ =	shalt  }
0x5d: {  	_ =	shalt  }
0x5e: {  	_ =	shalt  }
0x5f: {  	_ =	shalt  }
0x60: {  	_ =	shalt  }
0x61: {  	_ =	shalt  }
0x62: {  	_ =	shalt  }
0x63: {  	_ =	shalt  }
0x64: {  	_ =	shalt  }
0x65: {  	_ =	shalt  }
0x66: {  	_ =	shalt  }
0x67: {  	_ =	shalt  }
0x68: {  	_ =	shalt  }
0x69: {  	_ =	shalt  }
0x6a: {  	_ =	shalt  }
0x6b: {  	_ =	shalt  }
0x6c: {  	_ =	shalt  }
0x6d: {  	_ =	shalt  }
0x6e: {  	_ =	shalt  }
0x6f: {  	_ =	shalt  }
0x70: {  	_ =	shalt  }
0x71: {  	_ =	shalt  }
0x72: {  	_ =	shalt  }
0x73: {  	_ =	shalt  }
0x74: {  	_ =	shalt  }
0x75: {  	_ =	shalt  }
0x76: {  	_ =	shalt  }
0x77: {  	_ =	shalt  }
0x78: {  	_ =	shalt  }
0x79: {  	_ =	shalt  }
0x7a: {  	_ =	shalt  }
0x7b: {  	_ =	shalt  }
0x7c: {  	_ =	shalt  }
0x7d: {  	_ =	shalt  }
0x7e: {  	_ =	shalt  }
0x7f: {  	_ =	shalt  }
0x80: {  	_ =	shalt  }
0x81: {  	_ =	shalt  }
0x82: {  	_ =	shalt  }
0x83: {  	_ =	shalt  }
0x84: {  	_ =	shalt  }
0x85: {  	_ =	shalt  }
0x86: {  	_ =	shalt  }
0x87: {  	_ =	shalt  }
.Lfunc_end0:
.L_simem_size_0:
called_computation.1_lowered:
.L_overlay_start_0:
0x88: {  	s2 =	sld [smem:$0x3FD9]  }
0x89: {  	s3 =	sld [smem:$0x3FFE];
	_ =	sdelay $0x1  }
0x8a: {  	s1 =	srdreg.scid  }
0x8b: {  	s0 =	sand.u32 $0x1, s1  }
0x8c: {  	s17 =	sshll.u32 s0, $0xA;
	s2 =	sadd.s32 s3, s2  }
0x8d: {  	s2 =	sadd.s32 s2, s17  }
0x8e: {  	[smem:$0x3FBC] =	sst s2  }
0x8f: {  	_ = 	snop  }
0x90: {  	s2 =	sld [smem:$0x3FD0];
	(tm) =	ssettm $0x1  }
0x91: {  	s18 =	sld [smem:$0x3FFB];
	_ =	sdelay $0x3  }
0x92: {  	_ =	strace s18  }
0x93: {  	s3 =	sld [smem:$0x3FFC];
	_ =	sdelay $0x3  }
0x94: {  	_ =	strace s3  }
0x95: {  	s3 =	sld [smem:$0x3FFD];
	_ =	sdelay $0x3  }
0x96: {  	_ =	strace s3  }
0x97: {  	_ =	strace $0x8FFFFFFF  }
0x98: {  	s19 =	sld [smem:$0x3FDB];
	_ =	sdelay $0x1  }
0x99: {  	s4 =	simm.s32 $_scs_section_size  }
0x9a: {  	s5 =	simm.s32 $_size__tile_overlayer_lowered;
	s6 =	simm.s32 $_tile_overlayer_lowered  }
0x9b: {  	s22 =	simm.s32 $0x1BFF;
	s21 =	sshll.u32 s6, $0x1;
	s3 =	sadd.s32 s4, s19  }
0x9c: {  	s7 =	simm.s32 $0x0;
	s20 =	sshll.u32 s5, $0x1;
	s5 =	sadd.s32 s21, s3  }
0x9d: {  	[timem:s7], [sflag:s22] =	dma.local [hbm:s5], s20  }
0x9e: {  	_ =	swait.ge [sflag:s22], s20  }
0x9f: {  	s4 =	ssub.s32 $0x0, s20;
	[sflag:s22] =	ssyncset.done $0x0  }
0xa0: {  	[sflag:s22] =	ssyncadd.s32 s4;
	_ =	sdelay $0x1  }
0xa1: {  	s23 =	simm.s32 $0x1B8B  }
0xa2: {  	_ =	swait.ge [sflag:s23], $0x1  }
0xa3: {  	[sflag:s23] =	ssyncset.done $0x0  }
0xa4: {  	s25 =	simm.s32 $0x1B8E;
	s24 =	sld [smem:$0x3FFE];
	[sflag:s23] =	ssyncadd.s32 $0xFFFFFFFF  }
0xa5: {  	s26 =	simm.s32 $execute0_lowered;
	[smem:$0x3FD2] =	sst s25  }
0xa6: {  	s5 =	sshll.u32 s26, $0x1;
	_ =	strace $0x80000049;
	[dreg:$0x1] =	wrdreg $0xFFFFFFFF  }
0xa7: {  	s28 =	simm.s32 $_size_execute0_lowered;
	s3 =	sadd.s32 s3, s5;
	[dreg:$0x0] =	wrdreg $0x0  }
0xa8: {  	s5 =	sshll.u32 s28, $0x1;
	[dreg:$0x2] =	wrdreg s3  }
0xa9: {  	[dreg:$0x3] =	wrdreg s5  }
0xaa: {  	[dreg:$0x4] =	wrdreg $0xC0  }
0xab: {  	_ =	task [dreg:s7], $0x5FFFF  }
0xac: {  	[dreg:$0x1] =	wrdreg $0xFFFFFFFF  }
0xad: {  	[dreg:$0x0] =	wrdreg $0x60  }
0xae: {  	[dreg:$0x2] =	wrdreg s2  }
0xaf: {  	[dreg:$0x3] =	wrdreg s24  }
0xb0: {  	[dreg:$0x4] =	wrdreg $0x0  }
0xb1: {  	[dreg:$0x5] =	wrdreg $0x9  }
0xb2: {  	_ =	task.clear_ibuf [dreg:s7], $0x6FFFF;
	_ =	strace $0x90000049  }
0xb3: {  	s29 =	simm.s32 $0x9;
	_ =	strace $0x8000004B  }
0xb4: {  	_ =	swait.ge [sflag:s29], $0x1  }
0xb5: {  	[sflag:s29] =	ssyncadd.s32 $0xFFFFFFFF  }
0xb6: {  	_ =	strace $0x9000004B  }
0xb7: {  	_ =	sfence  }
0xb8: {  	s30 =	sld [smem:$0x0];
	_ =	sdelay $0x2  }
0xb9: {  	s31 =	sshll.u32 s1, $0xD;
	s1 =	sshrl.u32 s1, $0x2  }
0xba: {  	s3 =	sand.u32 $0x4000, s31;
	s1 =	sadd.s32 s1, s30  }
0xbb: {  	s0 =	sor.u32 s3, s0;
	s1 =	sshll.u32 s1, $0x11  }
0xbc: {  	s0 =	sor.u32 s1, s0  }
0xbd: {  	s0 =	sadd.s32 $0x8F2B, s0  }
0xbe: {  	[sflag:s0] =	ssyncadd.remote.s32 $0x1  }
0xbf: {  	_ =	sfence.sel $0xFFFF  }
0xc0: {  	[dreg:$0x0] =	wrdreg $0xFFFFFFFF;
	(pc) =	sbr.abs _section_cstart, $3  }
0xc1: {  	[dreg:$0x1] =	wrdreg $0xFFFFFFFF  }
0xc2: {  	_ =	task.clear_ibuf [dreg:s7], $0x2FFFF;
	_ =	strace $0x9FFFFFFF  }
0xc3: {  	(tm) =	ssettm $0x7FFFFFFF  }
tec
execute0_lowered:
.L_overlay_start_1:
0x0: {  	(tag) =	ssettag $0x1  }
0x1: {  	s2 =	rddreg [dreg:$0x0]  }
0x2: {  	s0 =	srdreg.scid;
	s5 =	rddreg [dreg:$0x1]  }
0x3: {  	s10 =	stileid.u32;
	s3 =	rddreg [dreg:$0x2]  }
0x4: {  	s4 =	simm.s32 $0x0;
	s12 =	simm.s32 $0x5;
	s13 =	simm.s32 $0xA000  }
0x5: {  	s15 =	simm.s32 $0x80;
	s16 =	simm.s32 $0xF000;
	s18 =	simm.s32 $0x11000  }
0x6: {  	s19 =	simm.s32 $0xA100;
	s20 =	simm.s32 $0x13000;
	s21 =	simm.s32 $0xA180  }
0x7: {  	s22 =	simm.s32 $0x15000;
	s23 =	simm.s32 $0x1;
	s24 =	simm.s32 $0x2  }
0x8: {  	s28 =	simm.s32 $0xEE00;
	s29 =	simm.s32 $0xEE80;
	s30 =	simm.s32 $0xEF00  }
0x9: {  	s31 =	simm.s32 $0xEF80;
	s0 =	sand.u32 $0x1, s0;
	s1 =	sshll.u32 s10, $0x1  }
0xa: {  	s6 =	smul.u32 $0xA000, s10;
	[smem:$0x7FF] =	sst s4;
	s26 =	sshll.u32 s10, $0x6  }
0xb: {  	s1 =	sor.u32 s0, s1;
	s7 =	smul.u32 $0xA0000, s0;
	_ =	strace $0x8000004A  }
0xc: {  	s0 =	ssub.s32 $0x2, s0;
	s1 =	smul.u32 $0x500, s1;
	s8 =	sshrl.u32 s6, $0x3  }
0xd: {  	s25 =	sshrl.u32 s0, $0x1;
	s11 =	sadd.s32 s6, s3;
	s7 =	sadd.s32 s6, s7  }
0xe: {  	s8 =	sadd.s32 s8, s5;
	s0 =	ssub.s32 s0, s25;
	s6 =	sor.u32 $0x1C05, s26  }
0xf: {  	s11 =	sshrl.u32 s11, $0x3;
	s25 =	simm.s32 $0x3;
	s26 =	simm.s32 $0x4  }
0x10: {  	s1 =	sadd.s32 s1, s5;
	s7 =	sshrl.u32 s7, $0x3;
	s10 =	smax.u32 s0, $0x1  }
0x11: {  	s9 =	sadd.s32 s7, s5;
	s5 =	sadd.s32 $0x93E00, s8;
	s7 =	sadd.s32 $0x11E00, s1  }
0x12: {  	s8 =	sadd.s32 $0x2C00, s1;
	s1 =	simm.s32 $0x0;
	s9 =	sadd.s32 $0xA7E00, s9  }
.LBB2_1:
0x13: {  	[spmem:s11], [sflag:s6] =	dma.local [hbm:s5], $0x1400  }
0x14: {  	_ =	swait.ge [sflag:s12], $0x1400  }
0x15: {  	[sflag:s12] =	ssyncset.done $0x0  }
0x16: {  	[sflag:s12] =	ssyncadd.s32 $0xFFFFEC00  }
0x17: {  	[tilespmem:s13], [sflag:$0x5] =	stream.linear.gather [hbm4b:s7+s4], $0x2800, $0x38;
	[tilespmem:$0x17000] =	vst v63  }
0x18: {  	_ =	swait.ge [sflag:s12], $0x2800  }
0x19: {  	[sflag:s12] =	ssyncset.done $0x0  }
0x1a: {  	s0 =	simm.s32 $0xC800;
	[sflag:s12] =	ssyncadd.s32 $0xFFFFD800  }
0x1b: {  	[tilespmem:s0], [sflag:$0x5] =	stream.linear.gather [hbm4b:s8+s4], $0x2800, $0x38;
	[tilespmem:$0x17000] =	vst v63  }
0x1c: {  	_ =	swait.ge [sflag:s12], $0x2800  }
0x1d: {  	[sflag:s12] =	ssyncset.done $0x0  }
0x1e: {  	[sflag:s12] =	ssyncadd.s32 $0xFFFFD800  }
0x1f: {  	[bflag:$0x0] =	sbarrier.arrive $0xFFFF  }
0x20: {  	[tilespmem:s16], [sflag:$0x1] =	stream.indirect.gather [hbm4b:s2+s15], $0x40, s13, s15, $0xb8;
	[tilespmem:$0x17000] =	vst v63  }
0x21: {  	s14 =	simm.s32 $0xA080  }
0x22: {  	[tilespmem:s18], [sflag:$0x2] =	stream.indirect.gather [hbm4b:s2+s15], $0x40, s14, s15, $0xb8;
	[tilespmem:$0x17000] =	vst v63  }
0x23: {  	_ = 	snop  }
0x24: {  	[tilespmem:s20], [sflag:$0x3] =	stream.indirect.gather [hbm4b:s2+s15], $0x40, s19, s15, $0xb8;
	[tilespmem:$0x17000] =	vst v63  }
0x25: {  	_ = 	snop  }
0x26: {  	[tilespmem:s22], [sflag:$0x4] =	stream.indirect.gather [hbm4b:s2+s15], $0x40, s21, s15, $0xb8;
	[tilespmem:$0x17000] =	vst v63  }
0x27: {  	_ =	swait.ge [sflag:s23], $0x2000  }
0x28: {  	[sflag:s23] =	ssyncset.done $0x0  }
0x29: {  	s17 =	simm.s32 $0xC800;
	[sflag:s23] =	ssyncadd.s32 $0xFFFFE000  }
0x2a: {  	[spmem:s3] =	stream.indirect.scatter.add.f32 [tilespmem:s16], [sflag:$0x5], $0x40, s17, s15, $0xb8;
	[tilespmem:$0x17000] =	vst v63  }
0x2b: {  	_ =	swait.ge [sflag:s12], $0x2000  }
0x2c: {  	[sflag:s12] =	ssyncset.done $0x0  }
0x2d: {  	s14 =	simm.s32 $0xA200;
	[sflag:s12] =	ssyncadd.s32 $0xFFFFE000  }
0x2e: {  	[tilespmem:s16], [sflag:$0x1] =	stream.indirect.gather [hbm4b:s2+s15], $0x40, s14, s15, $0xb8;
	[tilespmem:$0x17000] =	vst v63  }
0x2f: {  	_ =	swait.ge [sflag:s24], $0x2000  }
0x30: {  	[sflag:s24] =	ssyncset.done $0x0  }
0x31: {  	s17 =	simm.s32 $0xC880;
	[sflag:s24] =	ssyncadd.s32 $0xFFFFE000  }
0x32: {  	[spmem:s3] =	stream.indirect.scatter.add.f32 [tilespmem:s18], [sflag:$0x5], $0x40, s17, s15, $0xb8;
	[tilespmem:$0x17000] =	vst v63  }
0x33: {  	_ =	swait.ge [sflag:s12], $0x2000  }
0x34: {  	[sflag:s12] =	ssyncset.done $0x0  }
0x35: {  	s14 =	simm.s32 $0xA280;
	[sflag:s12] =	ssyncadd.s32 $0xFFFFE000  }
0x36: {  	[tilespmem:s18], [sflag:$0x2] =	stream.indirect.gather [hbm4b:s2+s15], $0x40, s14, s15, $0xb8;
	[tilespmem:$0x17000] =	vst v63  }
0x37: {  	_ =	swait.ge [sflag:s25], $0x2000  }
0x38: {  	[sflag:s25] =	ssyncset.done $0x0  }
0x39: {  	s17 =	simm.s32 $0xC900;
	[sflag:s25] =	ssyncadd.s32 $0xFFFFE000  }
0x3a: {  	[spmem:s3] =	stream.indirect.scatter.add.f32 [tilespmem:s20], [sflag:$0x5], $0x40, s17, s15, $0xb8;
	[tilespmem:$0x17000] =	vst v63  }
0x3b: {  	_ =	swait.ge [sflag:s12], $0x2000  }
0x3c: {  	[sflag:s12] =	ssyncset.done $0x0  }
0x3d: {  	s14 =	simm.s32 $0xA300;
	[sflag:s12] =	ssyncadd.s32 $0xFFFFE000  }
0x3e: {  	[tilespmem:s20], [sflag:$0x3] =	stream.indirect.gather [hbm4b:s2+s15], $0x40, s14, s15, $0xb8;
	[tilespmem:$0x17000] =	vst v63  }
0x3f: {  	_ =	swait.ge [sflag:s26], $0x2000  }
0x40: {  	[sflag:s26] =	ssyncset.done $0x0  }
0x41: {  	s17 =	simm.s32 $0xC980;
	[sflag:s26] =	ssyncadd.s32 $0xFFFFE000  }
0x42: {  	[spmem:s3] =	stream.indirect.scatter.add.f32 [tilespmem:s22], [sflag:$0x5], $0x40, s17, s15, $0xb8;
	[tilespmem:$0x17000] =	vst v63  }
0x43: {  	_ =	swait.ge [sflag:s12], $0x2000  }
0x44: {  	[sflag:s12] =	ssyncset.done $0x0  }
0x45: {  	s0 =	simm.s32 $0x800;
	s14 =	simm.s32 $0xA380;
	[sflag:s12] =	ssyncadd.s32 $0xFFFFE000  }
.LBB2_2:
0x46: {  	[tilespmem:s22], [sflag:$0x4] =	stream.indirect.gather [hbm4b:s2+s15], $0x40, s14, s15, $0xb8;
	[tilespmem:$0x17000] =	vst v63  }
0x47: {  	s14 =	smov.u32 s0  }
0x48: {  	p0 =	sne.s32 s0, $0x9000;
	s0 =	sadd.s32 $0x800, s0;
	_ =	swait.ge [sflag:s23], $0x2000  }
0x49: {  	s14 =	sshra.s32 s14, $0x2;
	[sflag:s23] =	ssyncset.done $0x0  }
0x4a: {  	s17 =	sadd.s32 $0xC800, s14;
	[sflag:s23] =	ssyncadd.s32 $0xFFFFE000  }
0x4b: {  	[spmem:s3] =	stream.indirect.scatter.add.f32 [tilespmem:s16], [sflag:$0x5], $0x40, s17, s15, $0xb8;
	[tilespmem:$0x17000] =	vst v63  }
0x4c: {  	_ =	swait.ge [sflag:s12], $0x2000  }
0x4d: {  	[sflag:s12] =	ssyncset.done $0x0  }
0x4e: {  	s17 =	sadd.s32 $0xA200, s14;
	[sflag:s12] =	ssyncadd.s32 $0xFFFFE000  }
0x4f: {  	[tilespmem:s16], [sflag:$0x1] =	stream.indirect.gather [hbm4b:s2+s15], $0x40, s17, s15, $0xb8;
	[tilespmem:$0x17000] =	vst v63  }
0x50: {  	_ =	swait.ge [sflag:s24], $0x2000  }
0x51: {  	[sflag:s24] =	ssyncset.done $0x0  }
0x52: {  	s17 =	sadd.s32 $0xC880, s14;
	[sflag:s24] =	ssyncadd.s32 $0xFFFFE000  }
0x53: {  	[spmem:s3] =	stream.indirect.scatter.add.f32 [tilespmem:s18], [sflag:$0x5], $0x40, s17, s15, $0xb8;
	[tilespmem:$0x17000] =	vst v63  }
0x54: {  	_ =	swait.ge [sflag:s12], $0x2000  }
0x55: {  	[sflag:s12] =	ssyncset.done $0x0  }
0x56: {  	s17 =	sadd.s32 $0xA280, s14;
	[sflag:s12] =	ssyncadd.s32 $0xFFFFE000  }
0x57: {  	[tilespmem:s18], [sflag:$0x2] =	stream.indirect.gather [hbm4b:s2+s15], $0x40, s17, s15, $0xb8;
	[tilespmem:$0x17000] =	vst v63  }
0x58: {  	_ =	swait.ge [sflag:s25], $0x2000  }
0x59: {  	[sflag:s25] =	ssyncset.done $0x0  }
0x5a: {  	s17 =	sadd.s32 $0xC900, s14;
	[sflag:s25] =	ssyncadd.s32 $0xFFFFE000  }
0x5b: {  	[spmem:s3] =	stream.indirect.scatter.add.f32 [tilespmem:s20], [sflag:$0x5], $0x40, s17, s15, $0xb8;
	[tilespmem:$0x17000] =	vst v63  }
0x5c: {  	_ =	swait.ge [sflag:s12], $0x2000  }
0x5d: {  	[sflag:s12] =	ssyncset.done $0x0  }
0x5e: {  	s17 =	sadd.s32 $0xA300, s14;
	[sflag:s12] =	ssyncadd.s32 $0xFFFFE000  }
0x5f: {  	[tilespmem:s20], [sflag:$0x3] =	stream.indirect.gather [hbm4b:s2+s15], $0x40, s17, s15, $0xb8;
	[tilespmem:$0x17000] =	vst v63  }
0x60: {  	_ =	swait.ge [sflag:s26], $0x2000  }
0x61: {  	[sflag:s26] =	ssyncset.done $0x0  }
.Ltmp0:
0x62: {  	s17 =	sadd.s32 $0xC980, s14;
	[sflag:s26] =	ssyncadd.s32 $0xFFFFE000;
	(pc) =	sbr.rel @p0 .LBB2_2-.Ltmp0, $4  }
0x63: {  	[spmem:s3] =	stream.indirect.scatter.add.f32 [tilespmem:s22], [sflag:$0x5], $0x40, s17, s15, $0xb8;
	[tilespmem:$0x17000] =	vst v63  }
0x64: {  	_ =	swait.ge [sflag:s12], $0x2000  }
0x65: {  	[sflag:s12] =	ssyncset.done $0x0  }
0x66: {  	s14 =	sadd.s32 $0xA380, s14;
	[sflag:s12] =	ssyncadd.s32 $0xFFFFE000  }
0x67: {  	[tilespmem:s22], [sflag:$0x4] =	stream.indirect.gather [hbm4b:s2+s15], $0x40, s14, s15, $0xb8;
	[tilespmem:$0x17000] =	vst v63  }
0x68: {  	_ =	swait.ge [sflag:s23], $0x2000  }
0x69: {  	[sflag:s23] =	ssyncset.done $0x0  }
0x6a: {  	[sflag:s23] =	ssyncadd.s32 $0xFFFFE000  }
0x6b: {  	[spmem:s3] =	stream.indirect.scatter.add.f32 [tilespmem:s16], [sflag:$0x5], $0x40, s28, s15, $0xb8;
	[tilespmem:$0x17000] =	vst v63  }
0x6c: {  	_ =	swait.ge [sflag:s12], $0x2000  }
0x6d: {  	[sflag:s12] =	ssyncset.done $0x0  }
0x6e: {  	[sflag:s12] =	ssyncadd.s32 $0xFFFFE000  }
0x6f: {  	_ =	swait.ge [sflag:s24], $0x2000  }
0x70: {  	[sflag:s24] =	ssyncset.done $0x0  }
0x71: {  	[sflag:s24] =	ssyncadd.s32 $0xFFFFE000  }
0x72: {  	[spmem:s3] =	stream.indirect.scatter.add.f32 [tilespmem:s18], [sflag:$0x5], $0x40, s29, s15, $0xb8;
	[tilespmem:$0x17000] =	vst v63  }
0x73: {  	_ =	swait.ge [sflag:s12], $0x2000  }
0x74: {  	[sflag:s12] =	ssyncset.done $0x0  }
0x75: {  	[sflag:s12] =	ssyncadd.s32 $0xFFFFE000  }
0x76: {  	_ =	swait.ge [sflag:s25], $0x2000  }
0x77: {  	[sflag:s25] =	ssyncset.done $0x0  }
0x78: {  	[sflag:s25] =	ssyncadd.s32 $0xFFFFE000  }
0x79: {  	[spmem:s3] =	stream.indirect.scatter.add.f32 [tilespmem:s20], [sflag:$0x5], $0x40, s30, s15, $0xb8;
	[tilespmem:$0x17000] =	vst v63  }
0x7a: {  	_ =	swait.ge [sflag:s12], $0x2000  }
0x7b: {  	[sflag:s12] =	ssyncset.done $0x0  }
0x7c: {  	[sflag:s12] =	ssyncadd.s32 $0xFFFFE000  }
0x7d: {  	_ =	swait.ge [sflag:s26], $0x2000  }
0x7e: {  	[sflag:s26] =	ssyncset.done $0x0  }
0x7f: {  	[sflag:s26] =	ssyncadd.s32 $0xFFFFE000  }
0x80: {  	[spmem:s3] =	stream.indirect.scatter.add.f32 [tilespmem:s22], [sflag:$0x5], $0x40, s31, s15, $0xb8;
	[tilespmem:$0x17000] =	vst v63  }
0x81: {  	_ =	swait.ge [sflag:s12], $0x2000  }
0x82: {  	s1 =	sadd.s32 $0x1, s1;
	[sflag:s12] =	ssyncset.done $0x0  }
0x83: {  	p0 =	sne.s32 s1, s10;
	[sflag:s12] =	ssyncadd.s32 $0xFFFFE000  }
.Ltmp1:
0x84: {  	[bflag:$0x0] =	sbarrier.arrive $0xFFFF;
	(pc) =	sbr.rel @p0 .LBB2_1-.Ltmp1, $4  }
0x85: {  	[hbm:s9], [sflag:s6] =	dma.local [spmem:s11], $0x1400  }
0x86: {  	_ =	swait.ge [sflag:s12], $0x1400  }
0x87: {  	[sflag:s12] =	ssyncset.done $0x0  }
0x88: {  	[sflag:s12] =	ssyncadd.s32 $0xFFFFEC00  }
0x89: {  	_ =	sfence.sel $0x180000  }
0x8a: {  	[bflag:$0x0] =	sbarrier.arrive $0xFFFF  }
0x8b: {  	_ =	strace $0x9000004A  }
0x8c: {  	s0 =	stileid.u32;
	[bflag:$0x2] =	sbarrier.arrive $0xFFFF  }
0x8d: {  	p0 =	sne.s32 s0, $0x0;
	s0 =	rddreg [dreg:$0x3]  }
0x8e: {  	s0 =	sadd.s32 @!p0 $0x100000, s0  }
0x8f: {  	[sflag:s0] =	ssyncadd.tile.s32 @!p0 $0x1;
	_ =	shalt  }
.Lfunc_end2:
_tile_overlayer_lowered:
.L_overlay_start_2:
0x90: {  	(tag) =	ssettag $0x2  }
0x91: {  	s0 =	rddreg [dreg:$0x0];
	s2 =	stileid.u32  }
0x92: {  	s1 =	rddreg [dreg:$0x1];
	p0 =	sne.s32 s2, $0x0  }
0x93: {  	s3 =	rddreg [dreg:$0x2];
	[bflag:$0x3] =	sbarrier.arrive $0xFFFF;
	s2 =	simm.s32 @!p0 $0x1C05  }
0x94: {  	[timem:s3], [sflag:s2] =	dma.local @!p0 [hbm:s0], s1  }
0x95: {  	s0 =	simm.s32 @!p0 $0x5  }
0x96: {  	_ =	swait.ge @!p0 [sflag:s0], s1  }
0x97: {  	s1 =	ssub.s32 @!p0 $0x0, s1;
	[sflag:s0] =	ssyncset.done @!p0 $0x0  }
0x98: {  	[sflag:s0] =	ssyncadd.s32 @!p0 s1  }
0x99: {  	[bflag:$0x3] =	sbarrier.arrive $0xFFFF  }
0x9a: {  	_ =	shalt  }

// kernel: kernel.14.cloned.1.call-start
scs
__scs_entry_jumppad:
0x0: {  	(pc) =	sbr.rel $0x88, $3  }
0x1: {  	(tag) =	ssettag $0x0;
	lr =	simm.s32 $0x1  }
0x2: {  	[smem:$0x3F95] =	sst lr;
	_ =	strace $0xD0000000  }
0x3: {  	_ = 	snop  }
0x4: {  	_ = 	snop  }
0x5: {  	_ = 	snop  }
0x6: {  	_ = 	snop  }
0x7: {  	_ = 	snop  }
__scs_overlays_trampoline_lowered:
0x8: {  	[smem:$0x3FA4] =	sst s0  }
0x9: {  	[smem:$0x3FA5] =	sst s1  }
0xa: {  	[smem:$0x3FA6] =	sst s2  }
0xb: {  	[smem:$0x3FA7] =	sst s3  }
0xc: {  	[smem:$0x3FA8] =	sst s4  }
0xd: {  	[smem:$0x3FA9] =	sst s5  }
0xe: {  	[smem:$0x3FAA] =	sst s6  }
0xf: {  	[smem:$0x3FAB] =	sst s7  }
0x10: {  	[smem:$0x3FAC] =	sst s8  }
0x11: {  	[smem:$0x3FAD] =	sst s9;
	s0 =	simm.s32 @!p0 $0x0  }
0x12: {  	s1 =	sld [smem:$0x3F93];
	s0 =	simm.s32 @p0 $0x1  }
0x13: {  	[smem:$0x3FAE] =	sst s0;
	s0 =	simm.s32 @!p1 $0x0  }
0x14: {  	s2 =	sld [smem:$0x3F92];
	s0 =	simm.s32 @p1 $0x1  }
0x15: {  	[smem:$0x3FAF] =	sst s0;
	s0 =	simm.s32 @!p2 $0x0  }
0x16: {  	s3 =	sld [smem:$0x3FDB];
	s0 =	simm.s32 @p2 $0x1  }
0x17: {  	s4 =	simm.s32 $0x1BF5;
	[smem:$0x3FB1] =	sst s0  }
0x18: {  	s0 =	sld [smem:$0x3F94];
	_ =	swait.ge [sflag:s4], $0x0  }
0x19: {  	s7 =	sld [smem:$0x3F95]  }
0x1a: {  	s8 =	sadd.s32 $0xFFFFE003, lr  }
0x1b: {  	s9 =	sadd.s32 $0xFFFFFEF7, lr;
	s5 =	simm.s32 $0xFFFFFFFF;
	p2 =	slt.u32 s8, $0xFFFFF086  }
0x1c: {  	p1 =	slt.u32 s9, $0xF7A;
	s5 =	simm.s32 @!p2 $0x0  }
0x1d: {  	s5 =	simm.s32 @p1 $0x1;
	p0 =	seq.s32 s7, s2  }
0x1e: {  	s7 =	smul.u32 @!p0 $0xF7A, s2;
	p2 =	seq.s32 @!p0 s5, $0x0  }
0x1f: {  	s9 =	smul.u32 $0xF7A, s1;
	s8 =	simm.s32 @!p0 $0x1BF5;
	p2 =	por !p2, p0  }
0x20: {  	[sflag:s8] =	ssyncset.s32 @!p0 $0xFFFFF086;
	s6 =	sadd.s32 @!p0 s3, s7;
	s7 =	simm.s32 @!p0 $0x108  }
0x21: {  	s3 =	sadd.s32 s3, s9;
	s6 =	sadd.s32 @!p0 $0x88, s6;
	s7 =	simm.s32 @p2 $0x1082  }
0x22: {  	[simem:s7], [sflag:s8] =	dma.local @!p0 [hbm:s6], $0xF7A  }
0x23: {  	s9 =	sor.u32 $0xD0000000, s2;
	s6 =	simm.s32 $0x108;
	_ =	swait.ge @!p0 [sflag:s8], $0x0  }
0x24: {  	s3 =	sadd.s32 $0x88, s3;
	s6 =	simm.s32 @!p1 $0x1082;
	[sflag:s4] =	ssyncset.s32 $0xFFFFF086  }
0x25: {  	[simem:s6], [sflag:s4] =	dma.local [hbm:s3], $0xF7A  }
0x26: {  	[smem:$0x3F95] =	sst s1;
	(tag) =	ssettag s2;
	_ =	strace s9  }
0x27: {  	s1 =	sld [smem:$0x3FA5]  }
0x28: {  	s2 =	sld [smem:$0x3FA6]  }
0x29: {  	s4 =	sld [smem:$0x3FA8]  }
0x2a: {  	p0 =	seq.s32 s5, $0x0;
	s5 =	sld [smem:$0x3FA9]  }
0x2b: {  	s6 =	sld [smem:$0x3FAA]  }
0x2c: {  	s7 =	sld [smem:$0x3FAB]  }
0x2d: {  	s3 =	simm.s32 $0x108;
	s8 =	sld [smem:$0x3FAC]  }
0x2e: {  	s3 =	simm.s32 @!p0 $0x1082;
	s9 =	sld [smem:$0x3FAD]  }
0x2f: {  	lr =	sadd.s32 s0, s3;
	s0 =	sld [smem:$0x3FA4]  }
0x30: {  	s3 =	sld [smem:$0x3FA7]  }
0x31: {  	[smem:$0x3FB0] =	sst s10  }
0x32: {  	s10 =	sld [smem:$0x3FAE];
	_ =	sdelay $0x3  }
0x33: {  	p0 =	seq.s32 s10, $0x1;
	s10 =	sld [smem:$0x3FB0];
	_ =	sdelay $0x3  }
0x34: {  	[smem:$0x3FB0] =	sst s10  }
0x35: {  	s10 =	sld [smem:$0x3FAF];
	_ =	sdelay $0x3  }
0x36: {  	p1 =	seq.s32 s10, $0x1;
	s10 =	sld [smem:$0x3FB0];
	_ =	sdelay $0x3  }
0x37: {  	[smem:$0x3FB0] =	sst s10  }
0x38: {  	s10 =	sld [smem:$0x3FB1]  }
0x39: {  	_ = 	snop;
	(pc) =	sbr.ind lr, $3  }
0x3a: {  	_ = 	snop  }
0x3b: {  	_ = 	snop  }
0x3c: {  	p2 =	seq.s32 s10, $0x1;
	s10 =	sld [smem:$0x3FB0]  }
0x3d: {  	_ =	shalt  }
0x3e: {  	_ =	shalt  }
0x3f: {  	_ =	shalt  }
0x40: {  	_ =	shalt  }
0x41: {  	_ =	shalt  }
0x42: {  	_ =	shalt  }
0x43: {  	_ =	shalt  }
0x44: {  	_ =	shalt  }
0x45: {  	_ =	shalt  }
0x46: {  	_ =	shalt  }
0x47: {  	_ =	shalt  }
0x48: {  	_ =	shalt  }
0x49: {  	_ =	shalt  }
0x4a: {  	_ =	shalt  }
0x4b: {  	_ =	shalt  }
0x4c: {  	_ =	shalt  }
0x4d: {  	_ =	shalt  }
0x4e: {  	_ =	shalt  }
0x4f: {  	_ =	shalt  }
0x50: {  	_ =	shalt  }
0x51: {  	_ =	shalt  }
0x52: {  	_ =	shalt  }
0x53: {  	_ =	shalt  }
0x54: {  	_ =	shalt  }
0x55: {  	_ =	shalt  }
0x56: {  	_ =	shalt  }
0x57: {  	_ =	shalt  }
0x58: {  	_ =	shalt  }
0x59: {  	_ =	shalt  }
0x5a: {  	_ =	shalt  }
0x5b: {  	_ =	shalt  }
0x5c: {  	_ =	shalt  }
0x5d: {  	_ =	shalt  }
0x5e: {  	_ =	shalt  }
0x5f: {  	_ =	shalt  }
0x60: {  	_ =	shalt  }
0x61: {  	_ =	shalt  }
0x62: {  	_ =	shalt  }
0x63: {  	_ =	shalt  }
0x64: {  	_ =	shalt  }
0x65: {  	_ =	shalt  }
0x66: {  	_ =	shalt  }
0x67: {  	_ =	shalt  }
0x68: {  	_ =	shalt  }
0x69: {  	_ =	shalt  }
0x6a: {  	_ =	shalt  }
0x6b: {  	_ =	shalt  }
0x6c: {  	_ =	shalt  }
0x6d: {  	_ =	shalt  }
0x6e: {  	_ =	shalt  }
0x6f: {  	_ =	shalt  }
0x70: {  	_ =	shalt  }
0x71: {  	_ =	shalt  }
0x72: {  	_ =	shalt  }
0x73: {  	_ =	shalt  }
0x74: {  	_ =	shalt  }
0x75: {  	_ =	shalt  }
0x76: {  	_ =	shalt  }
0x77: {  	_ =	shalt  }
0x78: {  	_ =	shalt  }
0x79: {  	_ =	shalt  }
0x7a: {  	_ =	shalt  }
0x7b: {  	_ =	shalt  }
0x7c: {  	_ =	shalt  }
0x7d: {  	_ =	shalt  }
0x7e: {  	_ =	shalt  }
0x7f: {  	_ =	shalt  }
0x80: {  	_ =	shalt  }
0x81: {  	_ =	shalt  }
0x82: {  	_ =	shalt  }
0x83: {  	_ =	shalt  }
0x84: {  	_ =	shalt  }
0x85: {  	_ =	shalt  }
0x86: {  	_ =	shalt  }
0x87: {  	_ =	shalt  }
.Lfunc_end0:
.L_simem_size_0:
called_computation.2_lowered:
.L_overlay_start_0:
0x88: {  	s2 =	sld [smem:$0x3FD9]  }
0x89: {  	s3 =	sld [smem:$0x3FFE];
	_ =	sdelay $0x1  }
0x8a: {  	s1 =	srdreg.scid  }
0x8b: {  	s0 =	sand.u32 $0x1, s1  }
0x8c: {  	s17 =	sshll.u32 s0, $0xA;
	s2 =	sadd.s32 s3, s2  }
0x8d: {  	s2 =	sadd.s32 s2, s17  }
0x8e: {  	[smem:$0x3FBC] =	sst s2  }
0x8f: {  	_ = 	snop  }
0x90: {  	s2 =	sld [smem:$0x3FD0];
	(tm) =	ssettm $0x1  }
0x91: {  	s18 =	sld [smem:$0x3FFB];
	_ =	sdelay $0x3  }
0x92: {  	_ =	strace s18  }
0x93: {  	s3 =	sld [smem:$0x3FFC];
	_ =	sdelay $0x3  }
0x94: {  	_ =	strace s3  }
0x95: {  	s3 =	sld [smem:$0x3FFD];
	_ =	sdelay $0x3  }
0x96: {  	_ =	strace s3  }
0x97: {  	_ =	strace $0x8FFFFFFF  }
0x98: {  	s19 =	sld [smem:$0x3FDB];
	_ =	sdelay $0x1  }
0x99: {  	s4 =	simm.s32 $_scs_section_size  }
0x9a: {  	s5 =	simm.s32 $_size__tile_overlayer_lowered;
	s6 =	simm.s32 $_tile_overlayer_lowered  }
0x9b: {  	s22 =	simm.s32 $0x1BFF;
	s21 =	sshll.u32 s6, $0x1;
	s3 =	sadd.s32 s4, s19  }
0x9c: {  	s7 =	simm.s32 $0x0;
	s20 =	sshll.u32 s5, $0x1;
	s5 =	sadd.s32 s21, s3  }
0x9d: {  	[timem:s7], [sflag:s22] =	dma.local [hbm:s5], s20  }
0x9e: {  	_ =	swait.ge [sflag:s22], s20  }
0x9f: {  	s4 =	ssub.s32 $0x0, s20;
	[sflag:s22] =	ssyncset.done $0x0  }
0xa0: {  	[sflag:s22] =	ssyncadd.s32 s4;
	_ =	sdelay $0x1  }
0xa1: {  	s23 =	simm.s32 $0x1B8B  }
0xa2: {  	_ =	swait.ge [sflag:s23], $0x1  }
0xa3: {  	[sflag:s23] =	ssyncset.done $0x0  }
0xa4: {  	s25 =	simm.s32 $0x1B8E;
	s24 =	sld [smem:$0x3FFE];
	[sflag:s23] =	ssyncadd.s32 $0xFFFFFFFF  }
0xa5: {  	s26 =	simm.s32 $execute0_lowered;
	[smem:$0x3FD2] =	sst s25  }
0xa6: {  	s5 =	sshll.u32 s26, $0x1;
	_ =	strace $0x8000004C;
	[dreg:$0x1] =	wrdreg $0xFFFFFFFF  }
0xa7: {  	s28 =	simm.s32 $_size_execute0_lowered;
	s3 =	sadd.s32 s3, s5;
	[dreg:$0x0] =	wrdreg $0x0  }
0xa8: {  	s5 =	sshll.u32 s28, $0x1;
	[dreg:$0x2] =	wrdreg s3  }
0xa9: {  	[dreg:$0x3] =	wrdreg s5  }
0xaa: {  	[dreg:$0x4] =	wrdreg $0xC0  }
0xab: {  	_ =	task [dreg:s7], $0x5FFFF  }
0xac: {  	[dreg:$0x1] =	wrdreg $0xFFFFFFFF  }
0xad: {  	[dreg:$0x0] =	wrdreg $0x60  }
0xae: {  	[dreg:$0x2] =	wrdreg s24  }
0xaf: {  	[dreg:$0x3] =	wrdreg s2  }
0xb0: {  	[dreg:$0x4] =	wrdreg $0x0  }
0xb1: {  	[dreg:$0x5] =	wrdreg $0x9  }
0xb2: {  	_ =	task.clear_ibuf [dreg:s7], $0x6FFFF;
	_ =	strace $0x9000004C  }
0xb3: {  	s29 =	simm.s32 $0x9;
	_ =	strace $0x8000004E  }
0xb4: {  	_ =	swait.ge [sflag:s29], $0x1  }
0xb5: {  	[sflag:s29] =	ssyncadd.s32 $0xFFFFFFFF  }
0xb6: {  	_ =	strace $0x9000004E  }
0xb7: {  	_ =	sfence  }
0xb8: {  	s30 =	sld [smem:$0x0];
	_ =	sdelay $0x2  }
0xb9: {  	s31 =	sshll.u32 s1, $0xD;
	s1 =	sshrl.u32 s1, $0x2  }
0xba: {  	s3 =	sand.u32 $0x4000, s31;
	s1 =	sadd.s32 s1, s30  }
0xbb: {  	s0 =	sor.u32 s3, s0;
	s1 =	sshll.u32 s1, $0x11  }
0xbc: {  	s0 =	sor.u32 s1, s0  }
0xbd: {  	s0 =	sadd.s32 $0x8F2B, s0  }
0xbe: {  	[sflag:s0] =	ssyncadd.remote.s32 $0x1  }
0xbf: {  	_ =	sfence.sel $0xFFFF  }
0xc0: {  	[dreg:$0x0] =	wrdreg $0xFFFFFFFF;
	(pc) =	sbr.abs _section_cstart, $3  }
0xc1: {  	[dreg:$0x1] =	wrdreg $0xFFFFFFFF  }
0xc2: {  	_ =	task.clear_ibuf [dreg:s7], $0x2FFFF;
	_ =	strace $0x9FFFFFFF  }
0xc3: {  	(tm) =	ssettm $0x7FFFFFFF  }
tec
execute0_lowered:
.L_overlay_start_1:
0x0: {  	(tag) =	ssettag $0x1  }
0x1: {  	s0 =	rddreg [dreg:$0x0]  }
0x2: {  	s1 =	rddreg [dreg:$0x1];
	s3 =	srdreg.scid  }
0x3: {  	s13 =	stileid.u32;
	s2 =	rddreg [dreg:$0x2]  }
0x4: {  	s15 =	simm.s32 $0x80;
	s16 =	simm.s32 $0x7800;
	s18 =	simm.s32 $0x8000  }
0x5: {  	s19 =	simm.s32 $0x2900;
	s20 =	simm.s32 $0x8800;
	s21 =	simm.s32 $0x2980  }
0x6: {  	s22 =	simm.s32 $0x9000;
	s28 =	simm.s32 $0x7600;
	s29 =	simm.s32 $0x7680  }
0x7: {  	s30 =	simm.s32 $0x7700;
	s31 =	simm.s32 $0x7780;
	s5 =	sand.u32 $0x1, s3  }
0x8: {  	s4 =	sshll.u32 s13, $0x1;
	s3 =	simm.s32 $0x0;
	s7 =	smul.u32 $0x2800, s13  }
0x9: {  	s24 =	sshll.u32 s13, $0x6;
	s13 =	simm.s32 $0x2800;
	s4 =	sor.u32 s5, s4  }
0xa: {  	[smem:$0x7FF] =	sst s3;
	s23 =	ssub.s32 $0x2, s5;
	s11 =	smul.u32 $0x28000, s5  }
0xb: {  	s6 =	smul.u32 $0x500, s4;
	_ =	strace $0x8000004D;
	s4 =	sadd.s32 $0x6BE00, s0  }
0xc: {  	s9 =	sshrl.u32 s7, $0x3;
	s10 =	sshrl.u32 s23, $0x1;
	s12 =	sadd.s32 s7, s2  }
0xd: {  	s10 =	ssub.s32 s23, s10;
	s25 =	sadd.s32 s7, s11;
	s11 =	sshrl.u32 s12, $0x3  }
0xe: {  	s12 =	simm.s32 $0x5;
	s23 =	simm.s32 $0x1;
	s8 =	sadd.s32 s6, s0  }
0xf: {  	s0 =	sadd.s32 s9, s0;
	s6 =	sor.u32 $0x1C05, s24;
	s26 =	sshrl.u32 s25, $0x3  }
0x10: {  	s10 =	smax.u32 s10, $0x1;
	s24 =	simm.s32 $0x2;
	s25 =	simm.s32 $0x3  }
0x11: {  	s5 =	sadd.s32 $0xCC00, s0;
	s7 =	sadd.s32 $0x11E00, s8;
	s8 =	sadd.s32 $0x2C00, s8  }
0x12: {  	s9 =	sadd.s32 s1, s26;
	s26 =	simm.s32 $0x4;
	s1 =	simm.s32 $0x0  }
.LBB2_1:
0x13: {  	[spmem:s11], [sflag:s6] =	dma.local [hbm:s5], $0x500  }
0x14: {  	_ =	swait.ge [sflag:s12], $0x500  }
0x15: {  	[sflag:s12] =	ssyncset.done $0x0  }
0x16: {  	[sflag:s12] =	ssyncadd.s32 $0xFFFFFB00  }
0x17: {  	[tilespmem:s13], [sflag:$0x5] =	stream.linear.gather [hbm4b:s7+s3], $0x2800, $0x38;
	[tilespmem:$0x9800] =	vst v63  }
0x18: {  	_ =	swait.ge [sflag:s12], $0x2800  }
0x19: {  	[sflag:s12] =	ssyncset.done $0x0  }
0x1a: {  	s0 =	simm.s32 $0x5000;
	[sflag:s12] =	ssyncadd.s32 $0xFFFFD800  }
0x1b: {  	[tilespmem:s0], [sflag:$0x5] =	stream.linear.gather [hbm4b:s8+s3], $0x2800, $0x38;
	[tilespmem:$0x9800] =	vst v63  }
0x1c: {  	_ =	swait.ge [sflag:s12], $0x2800  }
0x1d: {  	[sflag:s12] =	ssyncset.done $0x0  }
0x1e: {  	[sflag:s12] =	ssyncadd.s32 $0xFFFFD800  }
0x1f: {  	[bflag:$0x0] =	sbarrier.arrive $0xFFFF  }
0x20: {  	[tilespmem:s16], [sflag:$0x1] =	stream.indirect.gather [hbm4b:s4+s15], $0x10, s13, s15, $0xb8;
	[tilespmem:$0x9800] =	vst v63  }
0x21: {  	s14 =	simm.s32 $0x2880  }
0x22: {  	[tilespmem:s18], [sflag:$0x2] =	stream.indirect.gather [hbm4b:s4+s15], $0x10, s14, s15, $0xb8;
	[tilespmem:$0x9800] =	vst v63  }
0x23: {  	_ = 	snop  }
0x24: {  	[tilespmem:s20], [sflag:$0x3] =	stream.indirect.gather [hbm4b:s4+s15], $0x10, s19, s15, $0xb8;
	[tilespmem:$0x9800] =	vst v63  }
0x25: {  	_ = 	snop  }
0x26: {  	[tilespmem:s22], [sflag:$0x4] =	stream.indirect.gather [hbm4b:s4+s15], $0x10, s21, s15, $0xb8;
	[tilespmem:$0x9800] =	vst v63  }
0x27: {  	_ =	swait.ge [sflag:s23], $0x800  }
0x28: {  	[sflag:s23] =	ssyncset.done $0x0  }
0x29: {  	s17 =	simm.s32 $0x5000;
	[sflag:s23] =	ssyncadd.s32 $0xFFFFF800  }
0x2a: {  	[spmem:s2] =	stream.indirect.scatter.add.f32 [tilespmem:s16], [sflag:$0x5], $0x10, s17, s15, $0xb8;
	[tilespmem:$0x9800] =	vst v63  }
0x2b: {  	_ =	swait.ge [sflag:s12], $0x800  }
0x2c: {  	[sflag:s12] =	ssyncset.done $0x0  }
0x2d: {  	s14 =	simm.s32 $0x2A00;
	[sflag:s12] =	ssyncadd.s32 $0xFFFFF800  }
0x2e: {  	[tilespmem:s16], [sflag:$0x1] =	stream.indirect.gather [hbm4b:s4+s15], $0x10, s14, s15, $0xb8;
	[tilespmem:$0x9800] =	vst v63  }
0x2f: {  	_ =	swait.ge [sflag:s24], $0x800  }
0x30: {  	[sflag:s24] =	ssyncset.done $0x0  }
0x31: {  	s17 =	simm.s32 $0x5080;
	[sflag:s24] =	ssyncadd.s32 $0xFFFFF800  }
0x32: {  	[spmem:s2] =	stream.indirect.scatter.add.f32 [tilespmem:s18], [sflag:$0x5], $0x10, s17, s15, $0xb8;
	[tilespmem:$0x9800] =	vst v63  }
0x33: {  	_ =	swait.ge [sflag:s12], $0x800  }
0x34: {  	[sflag:s12] =	ssyncset.done $0x0  }
0x35: {  	s14 =	simm.s32 $0x2A80;
	[sflag:s12] =	ssyncadd.s32 $0xFFFFF800  }
0x36: {  	[tilespmem:s18], [sflag:$0x2] =	stream.indirect.gather [hbm4b:s4+s15], $0x10, s14, s15, $0xb8;
	[tilespmem:$0x9800] =	vst v63  }
0x37: {  	_ =	swait.ge [sflag:s25], $0x800  }
0x38: {  	[sflag:s25] =	ssyncset.done $0x0  }
0x39: {  	s17 =	simm.s32 $0x5100;
	[sflag:s25] =	ssyncadd.s32 $0xFFFFF800  }
0x3a: {  	[spmem:s2] =	stream.indirect.scatter.add.f32 [tilespmem:s20], [sflag:$0x5], $0x10, s17, s15, $0xb8;
	[tilespmem:$0x9800] =	vst v63  }
0x3b: {  	_ =	swait.ge [sflag:s12], $0x800  }
0x3c: {  	[sflag:s12] =	ssyncset.done $0x0  }
0x3d: {  	s14 =	simm.s32 $0x2B00;
	[sflag:s12] =	ssyncadd.s32 $0xFFFFF800  }
0x3e: {  	[tilespmem:s20], [sflag:$0x3] =	stream.indirect.gather [hbm4b:s4+s15], $0x10, s14, s15, $0xb8;
	[tilespmem:$0x9800] =	vst v63  }
0x3f: {  	_ =	swait.ge [sflag:s26], $0x800  }
0x40: {  	[sflag:s26] =	ssyncset.done $0x0  }
0x41: {  	s17 =	simm.s32 $0x5180;
	[sflag:s26] =	ssyncadd.s32 $0xFFFFF800  }
0x42: {  	[spmem:s2] =	stream.indirect.scatter.add.f32 [tilespmem:s22], [sflag:$0x5], $0x10, s17, s15, $0xb8;
	[tilespmem:$0x9800] =	vst v63  }
0x43: {  	_ =	swait.ge [sflag:s12], $0x800  }
0x44: {  	[sflag:s12] =	ssyncset.done $0x0  }
0x45: {  	s0 =	simm.s32 $0x800;
	s14 =	simm.s32 $0x2B80;
	[sflag:s12] =	ssyncadd.s32 $0xFFFFF800  }
.LBB2_2:
0x46: {  	[tilespmem:s22], [sflag:$0x4] =	stream.indirect.gather [hbm4b:s4+s15], $0x10, s14, s15, $0xb8;
	[tilespmem:$0x9800] =	vst v63  }
0x47: {  	s14 =	smov.u32 s0  }
0x48: {  	p0 =	sne.s32 s0, $0x9000;
	s0 =	sadd.s32 $0x800, s0;
	_ =	swait.ge [sflag:s23], $0x800  }
0x49: {  	s14 =	sshra.s32 s14, $0x2;
	[sflag:s23] =	ssyncset.done $0x0  }
0x4a: {  	s17 =	sadd.s32 $0x5000, s14;
	[sflag:s23] =	ssyncadd.s32 $0xFFFFF800  }
0x4b: {  	[spmem:s2] =	stream.indirect.scatter.add.f32 [tilespmem:s16], [sflag:$0x5], $0x10, s17, s15, $0xb8;
	[tilespmem:$0x9800] =	vst v63  }
0x4c: {  	_ =	swait.ge [sflag:s12], $0x800  }
0x4d: {  	[sflag:s12] =	ssyncset.done $0x0  }
0x4e: {  	s17 =	sadd.s32 $0x2A00, s14;
	[sflag:s12] =	ssyncadd.s32 $0xFFFFF800  }
0x4f: {  	[tilespmem:s16], [sflag:$0x1] =	stream.indirect.gather [hbm4b:s4+s15], $0x10, s17, s15, $0xb8;
	[tilespmem:$0x9800] =	vst v63  }
0x50: {  	_ =	swait.ge [sflag:s24], $0x800  }
0x51: {  	[sflag:s24] =	ssyncset.done $0x0  }
0x52: {  	s17 =	sadd.s32 $0x5080, s14;
	[sflag:s24] =	ssyncadd.s32 $0xFFFFF800  }
0x53: {  	[spmem:s2] =	stream.indirect.scatter.add.f32 [tilespmem:s18], [sflag:$0x5], $0x10, s17, s15, $0xb8;
	[tilespmem:$0x9800] =	vst v63  }
0x54: {  	_ =	swait.ge [sflag:s12], $0x800  }
0x55: {  	[sflag:s12] =	ssyncset.done $0x0  }
0x56: {  	s17 =	sadd.s32 $0x2A80, s14;
	[sflag:s12] =	ssyncadd.s32 $0xFFFFF800  }
0x57: {  	[tilespmem:s18], [sflag:$0x2] =	stream.indirect.gather [hbm4b:s4+s15], $0x10, s17, s15, $0xb8;
	[tilespmem:$0x9800] =	vst v63  }
0x58: {  	_ =	swait.ge [sflag:s25], $0x800  }
0x59: {  	[sflag:s25] =	ssyncset.done $0x0  }
0x5a: {  	s17 =	sadd.s32 $0x5100, s14;
	[sflag:s25] =	ssyncadd.s32 $0xFFFFF800  }
0x5b: {  	[spmem:s2] =	stream.indirect.scatter.add.f32 [tilespmem:s20], [sflag:$0x5], $0x10, s17, s15, $0xb8;
	[tilespmem:$0x9800] =	vst v63  }
0x5c: {  	_ =	swait.ge [sflag:s12], $0x800  }
0x5d: {  	[sflag:s12] =	ssyncset.done $0x0  }
0x5e: {  	s17 =	sadd.s32 $0x2B00, s14;
	[sflag:s12] =	ssyncadd.s32 $0xFFFFF800  }
0x5f: {  	[tilespmem:s20], [sflag:$0x3] =	stream.indirect.gather [hbm4b:s4+s15], $0x10, s17, s15, $0xb8;
	[tilespmem:$0x9800] =	vst v63  }
0x60: {  	_ =	swait.ge [sflag:s26], $0x800  }
0x61: {  	[sflag:s26] =	ssyncset.done $0x0  }
.Ltmp0:
0x62: {  	s17 =	sadd.s32 $0x5180, s14;
	[sflag:s26] =	ssyncadd.s32 $0xFFFFF800;
	(pc) =	sbr.rel @p0 .LBB2_2-.Ltmp0, $4  }
0x63: {  	[spmem:s2] =	stream.indirect.scatter.add.f32 [tilespmem:s22], [sflag:$0x5], $0x10, s17, s15, $0xb8;
	[tilespmem:$0x9800] =	vst v63  }
0x64: {  	_ =	swait.ge [sflag:s12], $0x800  }
0x65: {  	[sflag:s12] =	ssyncset.done $0x0  }
0x66: {  	s14 =	sadd.s32 $0x2B80, s14;
	[sflag:s12] =	ssyncadd.s32 $0xFFFFF800  }
0x67: {  	[tilespmem:s22], [sflag:$0x4] =	stream.indirect.gather [hbm4b:s4+s15], $0x10, s14, s15, $0xb8;
	[tilespmem:$0x9800] =	vst v63  }
0x68: {  	_ =	swait.ge [sflag:s23], $0x800  }
0x69: {  	[sflag:s23] =	ssyncset.done $0x0  }
0x6a: {  	[sflag:s23] =	ssyncadd.s32 $0xFFFFF800  }
0x6b: {  	[spmem:s2] =	stream.indirect.scatter.add.f32 [tilespmem:s16], [sflag:$0x5], $0x10, s28, s15, $0xb8;
	[tilespmem:$0x9800] =	vst v63  }
0x6c: {  	_ =	swait.ge [sflag:s12], $0x800  }
0x6d: {  	[sflag:s12] =	ssyncset.done $0x0  }
0x6e: {  	[sflag:s12] =	ssyncadd.s32 $0xFFFFF800  }
0x6f: {  	_ =	swait.ge [sflag:s24], $0x800  }
0x70: {  	[sflag:s24] =	ssyncset.done $0x0  }
0x71: {  	[sflag:s24] =	ssyncadd.s32 $0xFFFFF800  }
0x72: {  	[spmem:s2] =	stream.indirect.scatter.add.f32 [tilespmem:s18], [sflag:$0x5], $0x10, s29, s15, $0xb8;
	[tilespmem:$0x9800] =	vst v63  }
0x73: {  	_ =	swait.ge [sflag:s12], $0x800  }
0x74: {  	[sflag:s12] =	ssyncset.done $0x0  }
0x75: {  	[sflag:s12] =	ssyncadd.s32 $0xFFFFF800  }
0x76: {  	_ =	swait.ge [sflag:s25], $0x800  }
0x77: {  	[sflag:s25] =	ssyncset.done $0x0  }
0x78: {  	[sflag:s25] =	ssyncadd.s32 $0xFFFFF800  }
0x79: {  	[spmem:s2] =	stream.indirect.scatter.add.f32 [tilespmem:s20], [sflag:$0x5], $0x10, s30, s15, $0xb8;
	[tilespmem:$0x9800] =	vst v63  }
0x7a: {  	_ =	swait.ge [sflag:s12], $0x800  }
0x7b: {  	[sflag:s12] =	ssyncset.done $0x0  }
0x7c: {  	[sflag:s12] =	ssyncadd.s32 $0xFFFFF800  }
0x7d: {  	_ =	swait.ge [sflag:s26], $0x800  }
0x7e: {  	[sflag:s26] =	ssyncset.done $0x0  }
0x7f: {  	[sflag:s26] =	ssyncadd.s32 $0xFFFFF800  }
0x80: {  	[spmem:s2] =	stream.indirect.scatter.add.f32 [tilespmem:s22], [sflag:$0x5], $0x10, s31, s15, $0xb8;
	[tilespmem:$0x9800] =	vst v63  }
0x81: {  	_ =	swait.ge [sflag:s12], $0x800  }
0x82: {  	s1 =	sadd.s32 $0x1, s1;
	[sflag:s12] =	ssyncset.done $0x0  }
0x83: {  	p0 =	sne.s32 s1, s10;
	[sflag:s12] =	ssyncadd.s32 $0xFFFFF800  }
.Ltmp1:
0x84: {  	[bflag:$0x0] =	sbarrier.arrive $0xFFFF;
	(pc) =	sbr.rel @p0 .LBB2_1-.Ltmp1, $4  }
0x85: {  	[hbm:s9], [sflag:s6] =	dma.local [spmem:s11], $0x500  }
0x86: {  	_ =	swait.ge [sflag:s12], $0x500  }
0x87: {  	[sflag:s12] =	ssyncset.done $0x0  }
0x88: {  	[sflag:s12] =	ssyncadd.s32 $0xFFFFFB00  }
0x89: {  	_ =	sfence.sel $0x180000  }
0x8a: {  	[bflag:$0x0] =	sbarrier.arrive $0xFFFF  }
0x8b: {  	_ =	strace $0x9000004D  }
0x8c: {  	s0 =	stileid.u32;
	[bflag:$0x2] =	sbarrier.arrive $0xFFFF  }
0x8d: {  	p0 =	sne.s32 s0, $0x0;
	s0 =	rddreg [dreg:$0x3]  }
0x8e: {  	s0 =	sadd.s32 @!p0 $0x100000, s0  }
0x8f: {  	[sflag:s0] =	ssyncadd.tile.s32 @!p0 $0x1;
	_ =	shalt  }
.Lfunc_end2:
_tile_overlayer_lowered:
.L_overlay_start_2:
0x90: {  	(tag) =	ssettag $0x2  }
0x91: {  	s0 =	rddreg [dreg:$0x0];
	s2 =	stileid.u32  }
0x92: {  	s1 =	rddreg [dreg:$0x1];
	p0 =	sne.s32 s2, $0x0  }
0x93: {  	s3 =	rddreg [dreg:$0x2];
	[bflag:$0x3] =	sbarrier.arrive $0xFFFF;
	s2 =	simm.s32 @!p0 $0x1C05  }
0x94: {  	[timem:s3], [sflag:s2] =	dma.local @!p0 [hbm:s0], s1  }
0x95: {  	s0 =	simm.s32 @!p0 $0x5  }
0x96: {  	_ =	swait.ge @!p0 [sflag:s0], s1  }
0x97: {  	s1 =	ssub.s32 @!p0 $0x0, s1;
	[sflag:s0] =	ssyncset.done @!p0 $0x0  }
0x98: {  	[sflag:s0] =	ssyncadd.s32 @!p0 s1  }
0x99: {  	[bflag:$0x3] =	sbarrier.arrive $0xFFFF  }
0x9a: {  	_ =	shalt  }

// kernel: kernel.8.cloned.1.call-start
scs
__scs_entry_jumppad:
0x0: {  	(pc) =	sbr.rel $0x88, $3  }
0x1: {  	(tag) =	ssettag $0x0;
	lr =	simm.s32 $0x1  }
0x2: {  	[smem:$0x3F95] =	sst lr;
	_ =	strace $0xD0000000  }
0x3: {  	_ = 	snop  }
0x4: {  	_ = 	snop  }
0x5: {  	_ = 	snop  }
0x6: {  	_ = 	snop  }
0x7: {  	_ = 	snop  }
__scs_overlays_trampoline_lowered:
0x8: {  	[smem:$0x3FA4] =	sst s0  }
0x9: {  	[smem:$0x3FA5] =	sst s1  }
0xa: {  	[smem:$0x3FA6] =	sst s2  }
0xb: {  	[smem:$0x3FA7] =	sst s3  }
0xc: {  	[smem:$0x3FA8] =	sst s4  }
0xd: {  	[smem:$0x3FA9] =	sst s5  }
0xe: {  	[smem:$0x3FAA] =	sst s6  }
0xf: {  	[smem:$0x3FAB] =	sst s7  }
0x10: {  	[smem:$0x3FAC] =	sst s8  }
0x11: {  	[smem:$0x3FAD] =	sst s9;
	s0 =	simm.s32 @!p0 $0x0  }
0x12: {  	s1 =	sld [smem:$0x3F93];
	s0 =	simm.s32 @p0 $0x1  }
0x13: {  	[smem:$0x3FAE] =	sst s0;
	s0 =	simm.s32 @!p1 $0x0  }
0x14: {  	s2 =	sld [smem:$0x3F92];
	s0 =	simm.s32 @p1 $0x1  }
0x15: {  	[smem:$0x3FAF] =	sst s0;
	s0 =	simm.s32 @!p2 $0x0  }
0x16: {  	s3 =	sld [smem:$0x3FDB];
	s0 =	simm.s32 @p2 $0x1  }
0x17: {  	s4 =	simm.s32 $0x1BF5;
	[smem:$0x3FB1] =	sst s0  }
0x18: {  	s0 =	sld [smem:$0x3F94];
	_ =	swait.ge [sflag:s4], $0x0  }
0x19: {  	s7 =	sld [smem:$0x3F95]  }
0x1a: {  	s8 =	sadd.s32 $0xFFFFE003, lr  }
0x1b: {  	s9 =	sadd.s32 $0xFFFFFEF7, lr;
	s5 =	simm.s32 $0xFFFFFFFF;
	p2 =	slt.u32 s8, $0xFFFFF086  }
0x1c: {  	p1 =	slt.u32 s9, $0xF7A;
	s5 =	simm.s32 @!p2 $0x0  }
0x1d: {  	s5 =	simm.s32 @p1 $0x1;
	p0 =	seq.s32 s7, s2  }
0x1e: {  	s7 =	smul.u32 @!p0 $0xF7A, s2;
	p2 =	seq.s32 @!p0 s5, $0x0  }
0x1f: {  	s9 =	smul.u32 $0xF7A, s1;
	s8 =	simm.s32 @!p0 $0x1BF5;
	p2 =	por !p2, p0  }
0x20: {  	[sflag:s8] =	ssyncset.s32 @!p0 $0xFFFFF086;
	s6 =	sadd.s32 @!p0 s3, s7;
	s7 =	simm.s32 @!p0 $0x108  }
0x21: {  	s3 =	sadd.s32 s3, s9;
	s6 =	sadd.s32 @!p0 $0x88, s6;
	s7 =	simm.s32 @p2 $0x1082  }
0x22: {  	[simem:s7], [sflag:s8] =	dma.local @!p0 [hbm:s6], $0xF7A  }
0x23: {  	s9 =	sor.u32 $0xD0000000, s2;
	s6 =	simm.s32 $0x108;
	_ =	swait.ge @!p0 [sflag:s8], $0x0  }
0x24: {  	s3 =	sadd.s32 $0x88, s3;
	s6 =	simm.s32 @!p1 $0x1082;
	[sflag:s4] =	ssyncset.s32 $0xFFFFF086  }
0x25: {  	[simem:s6], [sflag:s4] =	dma.local [hbm:s3], $0xF7A  }
0x26: {  	[smem:$0x3F95] =	sst s1;
	(tag) =	ssettag s2;
	_ =	strace s9  }
0x27: {  	s1 =	sld [smem:$0x3FA5]  }
0x28: {  	s2 =	sld [smem:$0x3FA6]  }
0x29: {  	s4 =	sld [smem:$0x3FA8]  }
0x2a: {  	p0 =	seq.s32 s5, $0x0;
	s5 =	sld [smem:$0x3FA9]  }
0x2b: {  	s6 =	sld [smem:$0x3FAA]  }
0x2c: {  	s7 =	sld [smem:$0x3FAB]  }
0x2d: {  	s3 =	simm.s32 $0x108;
	s8 =	sld [smem:$0x3FAC]  }
0x2e: {  	s3 =	simm.s32 @!p0 $0x1082;
	s9 =	sld [smem:$0x3FAD]  }
0x2f: {  	lr =	sadd.s32 s0, s3;
	s0 =	sld [smem:$0x3FA4]  }
0x30: {  	s3 =	sld [smem:$0x3FA7]  }
0x31: {  	[smem:$0x3FB0] =	sst s10  }
0x32: {  	s10 =	sld [smem:$0x3FAE];
	_ =	sdelay $0x3  }
0x33: {  	p0 =	seq.s32 s10, $0x1;
	s10 =	sld [smem:$0x3FB0];
	_ =	sdelay $0x3  }
0x34: {  	[smem:$0x3FB0] =	sst s10  }
0x35: {  	s10 =	sld [smem:$0x3FAF];
	_ =	sdelay $0x3  }
0x36: {  	p1 =	seq.s32 s10, $0x1;
	s10 =	sld [smem:$0x3FB0];
	_ =	sdelay $0x3  }
0x37: {  	[smem:$0x3FB0] =	sst s10  }
0x38: {  	s10 =	sld [smem:$0x3FB1]  }
0x39: {  	_ = 	snop;
	(pc) =	sbr.ind lr, $3  }
0x3a: {  	_ = 	snop  }
0x3b: {  	_ = 	snop  }
0x3c: {  	p2 =	seq.s32 s10, $0x1;
	s10 =	sld [smem:$0x3FB0]  }
0x3d: {  	_ =	shalt  }
0x3e: {  	_ =	shalt  }
0x3f: {  	_ =	shalt  }
0x40: {  	_ =	shalt  }
0x41: {  	_ =	shalt  }
0x42: {  	_ =	shalt  }
0x43: {  	_ =	shalt  }
0x44: {  	_ =	shalt  }
0x45: {  	_ =	shalt  }
0x46: {  	_ =	shalt  }
0x47: {  	_ =	shalt  }
0x48: {  	_ =	shalt  }
0x49: {  	_ =	shalt  }
0x4a: {  	_ =	shalt  }
0x4b: {  	_ =	shalt  }
0x4c: {  	_ =	shalt  }
0x4d: {  	_ =	shalt  }
0x4e: {  	_ =	shalt  }
0x4f: {  	_ =	shalt  }
0x50: {  	_ =	shalt  }
0x51: {  	_ =	shalt  }
0x52: {  	_ =	shalt  }
0x53: {  	_ =	shalt  }
0x54: {  	_ =	shalt  }
0x55: {  	_ =	shalt  }
0x56: {  	_ =	shalt  }
0x57: {  	_ =	shalt  }
0x58: {  	_ =	shalt  }
0x59: {  	_ =	shalt  }
0x5a: {  	_ =	shalt  }
0x5b: {  	_ =	shalt  }
0x5c: {  	_ =	shalt  }
0x5d: {  	_ =	shalt  }
0x5e: {  	_ =	shalt  }
0x5f: {  	_ =	shalt  }
0x60: {  	_ =	shalt  }
0x61: {  	_ =	shalt  }
0x62: {  	_ =	shalt  }
0x63: {  	_ =	shalt  }
0x64: {  	_ =	shalt  }
0x65: {  	_ =	shalt  }
0x66: {  	_ =	shalt  }
0x67: {  	_ =	shalt  }
0x68: {  	_ =	shalt  }
0x69: {  	_ =	shalt  }
0x6a: {  	_ =	shalt  }
0x6b: {  	_ =	shalt  }
0x6c: {  	_ =	shalt  }
0x6d: {  	_ =	shalt  }
0x6e: {  	_ =	shalt  }
0x6f: {  	_ =	shalt  }
0x70: {  	_ =	shalt  }
0x71: {  	_ =	shalt  }
0x72: {  	_ =	shalt  }
0x73: {  	_ =	shalt  }
0x74: {  	_ =	shalt  }
0x75: {  	_ =	shalt  }
0x76: {  	_ =	shalt  }
0x77: {  	_ =	shalt  }
0x78: {  	_ =	shalt  }
0x79: {  	_ =	shalt  }
0x7a: {  	_ =	shalt  }
0x7b: {  	_ =	shalt  }
0x7c: {  	_ =	shalt  }
0x7d: {  	_ =	shalt  }
0x7e: {  	_ =	shalt  }
0x7f: {  	_ =	shalt  }
0x80: {  	_ =	shalt  }
0x81: {  	_ =	shalt  }
0x82: {  	_ =	shalt  }
0x83: {  	_ =	shalt  }
0x84: {  	_ =	shalt  }
0x85: {  	_ =	shalt  }
0x86: {  	_ =	shalt  }
0x87: {  	_ =	shalt  }
.Lfunc_end0:
.L_simem_size_0:
called_computation_lowered:
.L_overlay_start_0:
0x88: {  	s2 =	sld [smem:$0x3FD9]  }
0x89: {  	s3 =	sld [smem:$0x3FFE];
	_ =	sdelay $0x1  }
0x8a: {  	s1 =	srdreg.scid  }
0x8b: {  	s0 =	sand.u32 $0x1, s1  }
0x8c: {  	s17 =	sshll.u32 s0, $0xA;
	s2 =	sadd.s32 s3, s2  }
0x8d: {  	s2 =	sadd.s32 s2, s17  }
0x8e: {  	[smem:$0x3FBC] =	sst s2  }
0x8f: {  	_ = 	snop  }
0x90: {  	s2 =	sld [smem:$0x3FD0];
	(tm) =	ssettm $0x1  }
0x91: {  	s18 =	sld [smem:$0x3FFB];
	_ =	sdelay $0x3  }
0x92: {  	_ =	strace s18  }
0x93: {  	s3 =	sld [smem:$0x3FFC];
	_ =	sdelay $0x3  }
0x94: {  	_ =	strace s3  }
0x95: {  	s3 =	sld [smem:$0x3FFD];
	_ =	sdelay $0x3  }
0x96: {  	_ =	strace s3  }
0x97: {  	_ =	strace $0x8FFFFFFF  }
0x98: {  	s19 =	sld [smem:$0x3FDB];
	_ =	sdelay $0x1  }
0x99: {  	s4 =	simm.s32 $_scs_section_size  }
0x9a: {  	s5 =	simm.s32 $_size__tile_overlayer_lowered;
	s6 =	simm.s32 $_tile_overlayer_lowered  }
0x9b: {  	s22 =	simm.s32 $0x1BFF;
	s21 =	sshll.u32 s6, $0x1;
	s3 =	sadd.s32 s4, s19  }
0x9c: {  	s7 =	simm.s32 $0x0;
	s20 =	sshll.u32 s5, $0x1;
	s5 =	sadd.s32 s21, s3  }
0x9d: {  	[timem:s7], [sflag:s22] =	dma.local [hbm:s5], s20  }
0x9e: {  	_ =	swait.ge [sflag:s22], s20  }
0x9f: {  	s4 =	ssub.s32 $0x0, s20;
	[sflag:s22] =	ssyncset.done $0x0  }
0xa0: {  	[sflag:s22] =	ssyncadd.s32 s4;
	_ =	sdelay $0x1  }
0xa1: {  	s23 =	simm.s32 $0x1B8B  }
0xa2: {  	_ =	swait.ge [sflag:s23], $0x1  }
0xa3: {  	[sflag:s23] =	ssyncset.done $0x0  }
0xa4: {  	s25 =	simm.s32 $0x1B8E;
	s24 =	sld [smem:$0x3FFE];
	[sflag:s23] =	ssyncadd.s32 $0xFFFFFFFF  }
0xa5: {  	s26 =	simm.s32 $execute0_lowered;
	[smem:$0x3FD2] =	sst s25  }
0xa6: {  	s5 =	sshll.u32 s26, $0x1;
	_ =	strace $0x80000046;
	[dreg:$0x1] =	wrdreg $0xFFFFFFFF  }
0xa7: {  	s28 =	simm.s32 $_size_execute0_lowered;
	s3 =	sadd.s32 s3, s5;
	[dreg:$0x0] =	wrdreg $0x0  }
0xa8: {  	s5 =	sshll.u32 s28, $0x1;
	[dreg:$0x2] =	wrdreg s3  }
0xa9: {  	[dreg:$0x3] =	wrdreg s5  }
0xaa: {  	[dreg:$0x4] =	wrdreg $0xC0  }
0xab: {  	_ =	task [dreg:s7], $0x5FFFF  }
0xac: {  	[dreg:$0x1] =	wrdreg $0xFFFFFFFF  }
0xad: {  	[dreg:$0x0] =	wrdreg $0x60  }
0xae: {  	[dreg:$0x2] =	wrdreg s24  }
0xaf: {  	[dreg:$0x3] =	wrdreg s2  }
0xb0: {  	[dreg:$0x4] =	wrdreg $0x0  }
0xb1: {  	[dreg:$0x5] =	wrdreg $0x9  }
0xb2: {  	_ =	task.clear_ibuf [dreg:s7], $0x6FFFF;
	_ =	strace $0x90000046  }
0xb3: {  	s29 =	simm.s32 $0x9;
	_ =	strace $0x80000048  }
0xb4: {  	_ =	swait.ge [sflag:s29], $0x1  }
0xb5: {  	[sflag:s29] =	ssyncadd.s32 $0xFFFFFFFF  }
0xb6: {  	_ =	strace $0x90000048  }
0xb7: {  	_ =	sfence  }
0xb8: {  	s30 =	sld [smem:$0x0];
	_ =	sdelay $0x2  }
0xb9: {  	s31 =	sshll.u32 s1, $0xD;
	s1 =	sshrl.u32 s1, $0x2  }
0xba: {  	s3 =	sand.u32 $0x4000, s31;
	s1 =	sadd.s32 s1, s30  }
0xbb: {  	s0 =	sor.u32 s3, s0;
	s1 =	sshll.u32 s1, $0x11  }
0xbc: {  	s0 =	sor.u32 s1, s0  }
0xbd: {  	s0 =	sadd.s32 $0x8F2B, s0  }
0xbe: {  	[sflag:s0] =	ssyncadd.remote.s32 $0x1  }
0xbf: {  	_ =	sfence.sel $0xFFFF  }
0xc0: {  	[dreg:$0x0] =	wrdreg $0xFFFFFFFF;
	(pc) =	sbr.abs _section_cstart, $3  }
0xc1: {  	[dreg:$0x1] =	wrdreg $0xFFFFFFFF  }
0xc2: {  	_ =	task.clear_ibuf [dreg:s7], $0x2FFFF;
	_ =	strace $0x9FFFFFFF  }
0xc3: {  	(tm) =	ssettm $0x7FFFFFFF  }
tec
execute0_lowered:
.L_overlay_start_1:
0x0: {  	(tag) =	ssettag $0x1  }
0x1: {  	s5 =	rddreg [dreg:$0x0]  }
0x2: {  	s8 =	rddreg [dreg:$0x1];
	s1 =	srdreg.scid  }
0x3: {  	s0 =	stileid.u32;
	s2 =	rddreg [dreg:$0x2]  }
0x4: {  	s3 =	simm.s32 $0x0;
	s14 =	simm.s32 $0x80;
	s15 =	simm.s32 $0x2880  }
0x5: {  	s16 =	simm.s32 $0x2900;
	s17 =	simm.s32 $0x2980;
	s18 =	simm.s32 $0x1  }
0x6: {  	s19 =	simm.s32 $0x2;
	s20 =	simm.s32 $0x3;
	s21 =	simm.s32 $0x4  }
0x7: {  	s22 =	simm.s32 $0x0;
	s6 =	sand.u32 $0x1, s1;
	s1 =	rddreg [dreg:$0x3]  }
0x8: {  	s4 =	sshll.u32 s0, $0x1;
	[smem:$0x7FF] =	sst s3;
	s7 =	smul.u32 $0x2800, s0  }
0x9: {  	s4 =	sor.u32 s6, s4;
	s10 =	ssub.s32 $0x2, s6;
	s6 =	smul.u32 $0x28000, s6  }
0xa: {  	s30 =	sshll.u32 s0, $0x6;
	_ =	strace $0x80000047;
	s4 =	smul.u32 $0x500, s4  }
0xb: {  	s11 =	sshrl.u32 s7, $0x3;
	s12 =	sshrl.u32 s10, $0x1;
	s29 =	sadd.s32 s7, s2  }
0xc: {  	s10 =	ssub.s32 s10, s12;
	s13 =	sadd.s32 s7, s6;
	s6 =	sor.u32 $0x1C05, s30  }
0xd: {  	s12 =	simm.s32 $0x5000;
	s9 =	sadd.s32 s4, s5;
	s4 =	sadd.s32 $0x11C00, s5  }
0xe: {  	s5 =	sadd.s32 s11, s5;
	s31 =	sshrl.u32 s13, $0x3;
	s11 =	simm.s32 $0x5  }
0xf: {  	s13 =	simm.s32 $0x2800;
	s5 =	sadd.s32 $0xCC00, s5;
	s7 =	sadd.s32 $0x2C00, s9  }
0x10: {  	s8 =	sadd.s32 s8, s31;
	s9 =	smax.u32 s10, $0x1;
	s10 =	sshrl.u32 s29, $0x3  }
.LBB2_1:
0x11: {  	[spmem:s10], [sflag:s6] =	dma.local [hbm:s5], $0x500  }
0x12: {  	_ =	swait.ge [sflag:s11], $0x500  }
0x13: {  	[sflag:s11] =	ssyncset.done $0x0  }
0x14: {  	[sflag:s11] =	ssyncadd.s32 $0xFFFFFB00  }
0x15: {  	[tilespmem:s12], [sflag:$0x5] =	stream.linear.gather [hbm4b:s4+s3], $0x800, $0x38;
	[tilespmem:$0x5800] =	vst v63  }
0x16: {  	_ =	swait.ge [sflag:s11], $0x800  }
0x17: {  	[sflag:s11] =	ssyncset.done $0x0  }
0x18: {  	[sflag:s11] =	ssyncadd.s32 $0xFFFFF800  }
0x19: {  	[tilespmem:s13], [sflag:$0x5] =	stream.linear.gather [hbm4b:s7+s3], $0x2800, $0x38;
	[tilespmem:$0x5800] =	vst v63  }
0x1a: {  	_ =	swait.ge [sflag:s11], $0x2800  }
0x1b: {  	[sflag:s11] =	ssyncset.done $0x0  }
0x1c: {  	[sflag:s11] =	ssyncadd.s32 $0xFFFFD800  }
0x1d: {  	[bflag:$0x0] =	sbarrier.arrive $0xFFFF  }
0x1e: {  	[spmem:s2] =	stream.indirect.scatter.add.f32 [tilespmem:s12], [sflag:$0x1], $0x10, s13, s14, $0xb8;
	[tilespmem:$0x5800] =	vst v63  }
0x1f: {  	_ = 	snop  }
0x20: {  	[spmem:s2] =	stream.indirect.scatter.add.f32 [tilespmem:s12], [sflag:$0x2], $0x10, s15, s14, $0xb8;
	[tilespmem:$0x5800] =	vst v63  }
0x21: {  	_ = 	snop  }
0x22: {  	[spmem:s2] =	stream.indirect.scatter.add.f32 [tilespmem:s12], [sflag:$0x3], $0x10, s16, s14, $0xb8;
	[tilespmem:$0x5800] =	vst v63  }
0x23: {  	_ = 	snop  }
0x24: {  	[spmem:s2] =	stream.indirect.scatter.add.f32 [tilespmem:s12], [sflag:$0x4], $0x10, s17, s14, $0xb8;
	[tilespmem:$0x5800] =	vst v63  }
0x25: {  	_ =	swait.ge [sflag:s18], $0x800  }
0x26: {  	[sflag:s18] =	ssyncset.done $0x0  }
0x27: {  	s23 =	simm.s32 $0x2A00;
	[sflag:s18] =	ssyncadd.s32 $0xFFFFF800  }
0x28: {  	[spmem:s2] =	stream.indirect.scatter.add.f32 [tilespmem:s12], [sflag:$0x1], $0x10, s23, s14, $0xb8;
	[tilespmem:$0x5800] =	vst v63  }
0x29: {  	_ =	swait.ge [sflag:s19], $0x800  }
0x2a: {  	[sflag:s19] =	ssyncset.done $0x0  }
0x2b: {  	s30 =	simm.s32 $0x2A80;
	[sflag:s19] =	ssyncadd.s32 $0xFFFFF800  }
0x2c: {  	[spmem:s2] =	stream.indirect.scatter.add.f32 [tilespmem:s12], [sflag:$0x2], $0x10, s30, s14, $0xb8;
	[tilespmem:$0x5800] =	vst v63  }
0x2d: {  	_ =	swait.ge [sflag:s20], $0x800  }
0x2e: {  	[sflag:s20] =	ssyncset.done $0x0  }
0x2f: {  	s31 =	simm.s32 $0x2B00;
	[sflag:s20] =	ssyncadd.s32 $0xFFFFF800  }
0x30: {  	[spmem:s2] =	stream.indirect.scatter.add.f32 [tilespmem:s12], [sflag:$0x3], $0x10, s31, s14, $0xb8;
	[tilespmem:$0x5800] =	vst v63  }
0x31: {  	_ =	swait.ge [sflag:s21], $0x800  }
0x32: {  	[sflag:s21] =	ssyncset.done $0x0  }
0x33: {  	s24 =	simm.s32 $0x2B80;
	s23 =	simm.s32 $0xFFFF7000;
	[sflag:s21] =	ssyncadd.s32 $0xFFFFF800  }
.LBB2_2:
0x34: {  	[spmem:s2] =	stream.indirect.scatter.add.f32 [tilespmem:s12], [sflag:$0x4], $0x10, s24, s14, $0xb8;
	[tilespmem:$0x5800] =	vst v63  }
0x35: {  	s24 =	smov.u32 s23  }
0x36: {  	p0 =	sne.s32 s23, $0xFFFFF800;
	s23 =	sadd.s32 $0x800, s23;
	_ =	swait.ge [sflag:s18], $0x800  }
0x37: {  	s24 =	sshra.s32 s24, $0x2;
	[sflag:s18] =	ssyncset.done $0x0  }
0x38: {  	s25 =	sadd.s32 $0x5000, s24;
	[sflag:s18] =	ssyncadd.s32 $0xFFFFF800  }
0x39: {  	[spmem:s2] =	stream.indirect.scatter.add.f32 [tilespmem:s12], [sflag:$0x1], $0x10, s25, s14, $0xb8;
	[tilespmem:$0x5800] =	vst v63  }
0x3a: {  	_ =	swait.ge [sflag:s19], $0x800  }
0x3b: {  	[sflag:s19] =	ssyncset.done $0x0  }
0x3c: {  	s25 =	sadd.s32 $0x5080, s24;
	[sflag:s19] =	ssyncadd.s32 $0xFFFFF800  }
0x3d: {  	[spmem:s2] =	stream.indirect.scatter.add.f32 [tilespmem:s12], [sflag:$0x2], $0x10, s25, s14, $0xb8;
	[tilespmem:$0x5800] =	vst v63  }
0x3e: {  	_ =	swait.ge [sflag:s20], $0x800  }
0x3f: {  	[sflag:s20] =	ssyncset.done $0x0  }
.Ltmp0:
0x40: {  	s25 =	sadd.s32 $0x5100, s24;
	[sflag:s20] =	ssyncadd.s32 $0xFFFFF800;
	(pc) =	sbr.rel @p0 .LBB2_2-.Ltmp0, $4  }
0x41: {  	[spmem:s2] =	stream.indirect.scatter.add.f32 [tilespmem:s12], [sflag:$0x3], $0x10, s25, s14, $0xb8;
	[tilespmem:$0x5800] =	vst v63  }
0x42: {  	_ =	swait.ge [sflag:s21], $0x800  }
0x43: {  	[sflag:s21] =	ssyncset.done $0x0  }
0x44: {  	s24 =	sadd.s32 $0x5180, s24;
	[sflag:s21] =	ssyncadd.s32 $0xFFFFF800  }
0x45: {  	[spmem:s2] =	stream.indirect.scatter.add.f32 [tilespmem:s12], [sflag:$0x4], $0x10, s24, s14, $0xb8;
	[tilespmem:$0x5800] =	vst v63  }
0x46: {  	_ =	swait.ge [sflag:s18], $0x800  }
0x47: {  	[sflag:s18] =	ssyncset.done $0x0  }
0x48: {  	[sflag:s18] =	ssyncadd.s32 $0xFFFFF800  }
0x49: {  	_ =	swait.ge [sflag:s19], $0x800  }
0x4a: {  	[sflag:s19] =	ssyncset.done $0x0  }
0x4b: {  	[sflag:s19] =	ssyncadd.s32 $0xFFFFF800  }
0x4c: {  	_ =	swait.ge [sflag:s20], $0x800  }
0x4d: {  	[sflag:s20] =	ssyncset.done $0x0  }
0x4e: {  	[sflag:s20] =	ssyncadd.s32 $0xFFFFF800  }
0x4f: {  	_ =	swait.ge [sflag:s21], $0x800  }
0x50: {  	s22 =	sadd.s32 $0x1, s22;
	[sflag:s21] =	ssyncset.done $0x0  }
0x51: {  	p0 =	sne.s32 s22, s9;
	[sflag:s21] =	ssyncadd.s32 $0xFFFFF800  }
.Ltmp1:
0x52: {  	[bflag:$0x0] =	sbarrier.arrive $0xFFFF;
	(pc) =	sbr.rel @p0 .LBB2_1-.Ltmp1, $4  }
0x53: {  	[hbm:s8], [sflag:s6] =	dma.local [spmem:s10], $0x500  }
0x54: {  	_ =	swait.ge [sflag:s11], $0x500  }
0x55: {  	[sflag:s11] =	ssyncset.done $0x0  }
0x56: {  	[sflag:s11] =	ssyncadd.s32 $0xFFFFFB00  }
0x57: {  	_ =	sfence.sel $0x180000  }
0x58: {  	[bflag:$0x0] =	sbarrier.arrive $0xFFFF  }
0x59: {  	p0 =	sne.s32 s0, $0x0;
	_ =	strace $0x90000047  }
0x5a: {  	s0 =	sadd.s32 @!p0 $0x100000, s1;
	[bflag:$0x2] =	sbarrier.arrive $0xFFFF  }
0x5b: {  	[sflag:s0] =	ssyncadd.tile.s32 @!p0 $0x1;
	_ =	shalt  }
.Lfunc_end2:
_tile_overlayer_lowered:
.L_overlay_start_2:
0x5c: {  	(tag) =	ssettag $0x2  }
0x5d: {  	s0 =	rddreg [dreg:$0x0];
	s2 =	stileid.u32  }
0x5e: {  	s1 =	rddreg [dreg:$0x1];
	p0 =	sne.s32 s2, $0x0  }
0x5f: {  	s3 =	rddreg [dreg:$0x2];
	[bflag:$0x3] =	sbarrier.arrive $0xFFFF;
	s2 =	simm.s32 @!p0 $0x1C05  }
0x60: {  	[timem:s3], [sflag:s2] =	dma.local @!p0 [hbm:s0], s1  }
0x61: {  	s0 =	simm.s32 @!p0 $0x5  }
0x62: {  	_ =	swait.ge @!p0 [sflag:s0], s1  }
0x63: {  	s1 =	ssub.s32 @!p0 $0x0, s1;
	[sflag:s0] =	ssyncset.done @!p0 $0x0  }
0x64: {  	[sflag:s0] =	ssyncadd.s32 @!p0 s1  }
0x65: {  	[bflag:$0x3] =	sbarrier.arrive $0xFFFF  }
0x66: {  	_ =	shalt  }

</sc_bundles>
